<compile_context>
chip_gen: v7x
topology: tpu7x:2x2x1
jax: 0.10.2.dev20260603
libtpu: 0.0.44.dev20260713+nightly
codegen_flags: <defaults>
</compile_context>

<pallas_src>
import functools

import jax
import jax.numpy as jnp
from jax import lax
from jax.experimental import pallas as pl
from jax.experimental.pallas import tpu as pltpu
from jax.experimental.pallas import tpu_sc as plsc

_N = 10000
_E = 160000
_DIN = 128
_DOUT = 16

_NC = 2
_NS = 16
_NW = _NC * _NS

_CH = 128
_CPW = 40
_EPAD = _NW * _CPW * _CH
_NCHUNK = _EPAD // _CH
_RPT = 640
_NPAD = _NS * _RPT

_TILE = 200


def _matmul_body(x_ref, w_ref, h_ref):
    h_ref[...] = jnp.dot(x_ref[...], w_ref[...],
                         preferred_element_type=jnp.float32)


def _encode_h(x, W):
    return pl.pallas_call(
        _matmul_body,
        out_shape=jax.ShapeDtypeStruct((_N, _DOUT), jnp.float32),
    )(x, W)


def _segsum(h, col2, row2):
    mesh = plsc.VectorSubcoreMesh(core_axis_name="c", subcore_axis_name="s")

    @functools.partial(
        pl.kernel,
        mesh=mesh,
        compiler_params=pltpu.CompilerParams(use_tc_tiling_on_sc=False),
        out_type=jax.ShapeDtypeStruct((_NC, _NPAD, _DOUT), jnp.float32),
        scratch_types=[
            pltpu.VMEM((_CPW, _CH), jnp.int32),
            pltpu.VMEM((_CPW, _CH), jnp.int32),
            pltpu.VMEM((_CH, _DOUT), jnp.float32),
            pltpu.VMEM((_RPT, _DOUT), jnp.float32),
            pltpu.VMEM_SHARED((_NPAD, _DOUT), jnp.float32),
            pltpu.SemaphoreType.DMA,
        ],
    )
    def ksum(h_hbm, col_hbm, row_hbm, out_hbm, cidx, ridx, hbuf, zstage,
             z_sh, sem):
        cid = lax.axis_index("c")
        sid = lax.axis_index("s")
        wid = sid * _NC + cid

        def zero_row(i, carry):
            zstage[i, :] = jnp.zeros((16,), jnp.float32)
            return carry

        lax.fori_loop(0, _RPT, zero_row, 0)
        pltpu.sync_copy(zstage, z_sh.at[pl.ds(sid * _RPT, _RPT)])
        pltpu.sync_copy(col_hbm.at[pl.ds(wid * _CPW, _CPW)], cidx)
        pltpu.sync_copy(row_hbm.at[pl.ds(wid * _CPW, _CPW)], ridx)
        plsc.subcore_barrier()

        def chunk(k, carry):
            pltpu.async_copy(h_hbm.at[cidx.at[k]], hbuf, sem).wait()
            pltpu.sync_copy(hbuf, z_sh.at[ridx.at[k]], add=True)
            return carry

        lax.fori_loop(0, _CPW, chunk, 0)
        plsc.subcore_barrier()
        pltpu.sync_copy(z_sh.at[pl.ds(sid * _RPT, _RPT)], zstage)
        pltpu.sync_copy(zstage, out_hbm.at[cid, pl.ds(sid * _RPT, _RPT)])

    return ksum(h, col2, row2)


def _dense_body(z0_ref, z1_ref, z0t_ref, z1t_ref, w_ref, mask_ref,
                zout_ref, part_ref):
    step = pl.program_id(0)
    zc = jnp.maximum(z0_ref[...] + z1_ref[...], 0.0)

    @pl.when(step == 0)
    def _():
        zout_ref[...] = zc
        part_ref[...] = jnp.zeros((8, 128), jnp.float32)

    zrows = jnp.maximum(z0t_ref[...] + z1t_ref[...], 0.0)
    logits = lax.dot_general(zrows, zc, (((1,), (1,)), ((), ())),
                             preferred_element_type=jnp.float32)
    m = mask_ref[...]
    a = jnp.abs(logits)
    ce0 = jnp.maximum(logits, 0.0) + jnp.log1p(jnp.exp(-a))
    s0 = jnp.sum(ce0 * m)
    s1 = jnp.sum(m)
    wsq = jnp.where(step == 0, 0.5 * jnp.sum(w_ref[...] * w_ref[...]), 0.0)
    r = lax.broadcasted_iota(jnp.int32, (8, 128), 0)
    lane = lax.broadcasted_iota(jnp.int32, (8, 128), 1)
    vals = jnp.where(lane == 0, s0,
                     jnp.where(lane == 1, s1,
                               jnp.where(lane == 2, wsq, 0.0)))
    part_ref[...] += jnp.where(r == 0, vals, 0.0)


def _dense_pass(z0, z1, W, mask2d):
    return pl.pallas_call(
        _dense_body,
        grid=(_N // _TILE,),
        in_specs=[
            pl.BlockSpec((_N, _DOUT), lambda i: (0, 0)),
            pl.BlockSpec((_N, _DOUT), lambda i: (0, 0)),
            pl.BlockSpec((_TILE, _DOUT), lambda i: (i, 0)),
            pl.BlockSpec((_TILE, _DOUT), lambda i: (i, 0)),
            pl.BlockSpec((_DIN, _DOUT), lambda i: (0, 0)),
            pl.BlockSpec((_TILE, _N), lambda i: (i, 0)),
        ],
        out_specs=[
            pl.BlockSpec((_N, _DOUT), lambda i: (0, 0)),
            pl.BlockSpec((8, 128), lambda i: (0, 0)),
        ],
        out_shape=[
            jax.ShapeDtypeStruct((_N, _DOUT), jnp.float32),
            jax.ShapeDtypeStruct((8, 128), jnp.float32),
        ],
    )(z0, z1, z0, z1, W, mask2d)


def _edge_gather(z, mask16, rs2, cs2, mr2):
    mesh = plsc.VectorSubcoreMesh(core_axis_name="c", subcore_axis_name="s")

    @functools.partial(
        pl.kernel,
        mesh=mesh,
        compiler_params=pltpu.CompilerParams(use_tc_tiling_on_sc=False),
        out_type=[
            jax.ShapeDtypeStruct((_EPAD, _DOUT), jnp.float32),
            jax.ShapeDtypeStruct((_EPAD, _DOUT), jnp.float32),
            jax.ShapeDtypeStruct((_EPAD, 16), jnp.float32),
        ],
        scratch_types=[
            pltpu.VMEM((_CPW, _CH), jnp.int32),
            pltpu.VMEM((_CPW, _CH), jnp.int32),
            pltpu.VMEM((_CPW, _CH), jnp.int32),
            pltpu.VMEM((_CH, _DOUT), jnp.float32),
            pltpu.VMEM((_CH, _DOUT), jnp.float32),
            pltpu.VMEM((_CH, 16), jnp.float32),
            pltpu.SemaphoreType.DMA,
            pltpu.SemaphoreType.DMA,
            pltpu.SemaphoreType.DMA,
        ],
    )
    def kgath(z_hbm, m16_hbm, rs_hbm, cs_hbm, mr_hbm,
              zr_out, zc_out, mrow_out,
              rsv, csv, mrv, zrb, zcb, mrb, sem, sem1, sem2):
        cid = lax.axis_index("c")
        sid = lax.axis_index("s")
        wid = sid * _NC + cid
        base = wid * _CPW
        pltpu.sync_copy(rs_hbm.at[pl.ds(base, _CPW)], rsv)
        pltpu.sync_copy(cs_hbm.at[pl.ds(base, _CPW)], csv)
        pltpu.sync_copy(mr_hbm.at[pl.ds(base, _CPW)], mrv)

        def chunk(k, carry):
            off = (base + k) * _CH
            a = pltpu.async_copy(z_hbm.at[rsv.at[k]], zrb, sem)
            b = pltpu.async_copy(z_hbm.at[csv.at[k]], zcb, sem1)
            c = pltpu.async_copy(m16_hbm.at[mrv.at[k]], mrb, sem2)
            a.wait()
            pltpu.sync_copy(zrb, zr_out.at[pl.ds(off, _CH)])
            b.wait()
            pltpu.sync_copy(zcb, zc_out.at[pl.ds(off, _CH)])
            c.wait()
            pltpu.sync_copy(mrb, mrow_out.at[pl.ds(off, _CH)])
            return carry

        lax.fori_loop(0, _CPW, chunk, 0)

    return kgath(z, mask16, rs2, cs2, mr2)


_EB8 = 4096


def _corrtc_body(zr_ref, zc_ref, mrow_ref, moh_ref, out_ref):
    step = pl.program_id(0)

    @pl.when(step == 0)
    def _():
        out_ref[...] = jnp.zeros((8, 128), jnp.float32)

    sel = (lax.broadcasted_iota(jnp.int32, (128, 8), 0) // 16 ==
           lax.broadcasted_iota(jnp.int32, (128, 8), 1)).astype(jnp.float32)
    prod = zr_ref[...] * zc_ref[...]
    dots8 = lax.dot_general(prod, sel, (((1,), (0,)), ((), ())),
                            preferred_element_type=jnp.float32)
    mw8 = lax.dot_general(mrow_ref[...] * moh_ref[...], sel,
                          (((1,), (0,)), ((), ())),
                          preferred_element_type=jnp.float32)
    c = jnp.sum(dots8 * mw8)
    r = lax.broadcasted_iota(jnp.int32, (8, 128), 0)
    l = lax.broadcasted_iota(jnp.int32, (8, 128), 1)
    out_ref[...] += jnp.where((r == 0) & (l == 0), c, 0.0)


def _corr_reduce(zrp, zcp, mrp, mohp):
    return pl.pallas_call(
        _corrtc_body,
        grid=(_EPAD // 8 // _EB8,),
        in_specs=[
            pl.BlockSpec((_EB8, 128), lambda i: (i, 0)),
            pl.BlockSpec((_EB8, 128), lambda i: (i, 0)),
            pl.BlockSpec((_EB8, 128), lambda i: (i, 0)),
            pl.BlockSpec((_EB8, 128), lambda i: (i, 0)),
        ],
        out_specs=pl.BlockSpec((8, 128), lambda i: (0, 0)),
        out_shape=jax.ShapeDtypeStruct((8, 128), jnp.float32),
    )(zrp, zcp, mrp, mohp)


def kernel(x, mask, edge_index, W):
    row = edge_index[0].astype(jnp.int32)
    col = edge_index[1].astype(jnp.int32)

    h = _encode_h(x, W)

    pad = _EPAD - _E
    col_p = jnp.concatenate(
        [col, jnp.zeros((pad,), jnp.int32)]).reshape(_NCHUNK, _CH)
    row_p = jnp.concatenate(
        [row, jnp.full((pad,), _N, jnp.int32)]).reshape(_NCHUNK, _CH)
    zz = _segsum(h, col_p, row_p)

    lin = row * _N + col
    w_e = jnp.ones((_E,), jnp.float32)
    rs = row
    cs = col
    mr = lin // 16
    lane = lin % 16

    def _padi(a):
        return jnp.concatenate(
            [a, jnp.zeros((pad,), a.dtype)]).reshape(_NCHUNK, _CH)

    rs2, cs2, mr2 = _padi(rs), _padi(cs), _padi(mr)
    moh = jax.nn.one_hot(lane, 16, dtype=jnp.float32) * w_e[:, None]
    mohp = jnp.concatenate(
        [moh, jnp.zeros((pad, 16), jnp.float32)]).reshape(_EPAD // 8, 128)

    mask2d = mask.reshape(_N, _N)
    mask16 = mask.reshape(_N * _N // 16, 16)

    zout, part = _dense_pass(zz[0, :_N], zz[1, :_N], W, mask2d)
    zr_all, zc_all, mrow_all = _edge_gather(zout, mask16, rs2, cs2, mr2)
    cpart = _corr_reduce(zr_all.reshape(_EPAD // 8, 128),
                         zc_all.reshape(_EPAD // 8, 128),
                         mrow_all.reshape(_EPAD // 8, 128), mohp)

    s0 = part[0, 0]
    s1 = part[0, 1]
    wsq = part[0, 2]
    corr = cpart[0, 0]
    return wsq + (s0 - corr) / s1

# --- scband reference (transcript-rebuilt; emitter-appended) ---
"""Pipeline reference for scband-gae-35837207118143 (READ-ONLY COPY).

The authoritative reference and input builder live on the scoring server;
editing this copy changes nothing except your own understanding.
"""

import jax, jax.numpy as jnp
import numpy as np

N = 10000
E = 160000
D_IN = 128
D_OUT = 16


def setup_inputs(seed: int = 0) -> dict:
    key = jax.random.key(seed)
    k1, k2, k3, k4 = jax.random.split(key, 4)
    x = jax.random.normal(k1, (N, D_IN), dtype=jnp.float32)
    mask = jax.random.uniform(k2, (N * N,), dtype=jnp.float32)
    edge_index = jax.random.randint(k3, (2, E), 0, N, dtype=jnp.int32)
    # Encoder GCN weight (trainable variable of the model)
    W = jax.random.normal(k4, (D_IN, D_OUT), dtype=jnp.float32) * 0.05
    return {"x": x, "mask": mask, "edge_index": edge_index, "W": W}


def reference(x, mask, edge_index, W):
    row = edge_index[0]
    col = edge_index[1]
    # Encoder: GCN layer z = relu(A @ (x W))  (sparse adj matmul via gather + segment_sum)
    h = x @ W
    z = jax.ops.segment_sum(h[col], row, num_segments=N)
    z = jax.nn.relu(z)
    # Decoder: inner-product reconstruction logits, flattened like tf.reshape(adj_dense, [-1])
    logits = (z @ z.T).reshape(-1)
    # Dense adjacency labels from the sparse adj (tf.sparse.to_dense)
    labels = jnp.zeros((N * N,), dtype=jnp.float32).at[row.astype(jnp.int32) * N + col.astype(jnp.int32)].set(1.0)
    # L2 loss over trainable variables (tf.nn.l2_loss = sum(v^2)/2)
    loss = 0.5 * jnp.sum(W * W)
    # masked_sigmoid_cross_entropy
    m = mask / jnp.mean(mask)
    ce = jnp.maximum(logits, 0.0) - logits * labels + jnp.log1p(jnp.exp(-jnp.abs(logits)))
    loss = loss + jnp.mean(ce * m)
    return loss

if __name__ == "__main__":
    import jax
    _d = setup_inputs()
    print(jax.jit(kernel)(*tuple(_d.values())))

</pallas_src>

<mosaic_0001>
#map = affine_map<(d0, d1) -> (0, 0)>
module attributes {stable_mosaic.version = 14 : i64} {
  func.func @kgath(%arg0: i32, %arg1: i32, %arg2: memref<10000x16xf32, #tpu.memory_space<hbm>>, %arg3: memref<6250000x16xf32, #tpu.memory_space<hbm>>, %arg4: memref<1280x128xi32, #tpu.memory_space<hbm>>, %arg5: memref<1280x128xi32, #tpu.memory_space<hbm>>, %arg6: memref<1280x128xi32, #tpu.memory_space<hbm>>, %arg7: memref<163840x16xf32, #tpu.memory_space<hbm>>, %arg8: memref<163840x16xf32, #tpu.memory_space<hbm>>, %arg9: memref<163840x16xf32, #tpu.memory_space<hbm>>, %arg10: memref<40x128xi32, #tpu.memory_space<vmem>>, %arg11: memref<40x128xi32, #tpu.memory_space<vmem>>, %arg12: memref<40x128xi32, #tpu.memory_space<vmem>>, %arg13: memref<128x16xf32, #tpu.memory_space<vmem>>, %arg14: memref<128x16xf32, #tpu.memory_space<vmem>>, %arg15: memref<128x16xf32, #tpu.memory_space<vmem>>, %arg16: memref<!tpu.dma_semaphore, #tpu.memory_space<semaphore_mem>>, %arg17: memref<!tpu.dma_semaphore, #tpu.memory_space<semaphore_mem>>, %arg18: memref<!tpu.dma_semaphore, #tpu.memory_space<semaphore_mem>>) attributes {dimension_semantics = [#tpu.dimension_semantics<core_parallel>, #tpu.dimension_semantics<subcore_parallel>], iteration_bounds = array<i64: 2, 16>, scalar_prefetch = 0 : i64, scratch_operands = 9 : i64, tpu.core_type = #tpu.core_type<sc_vector_subcore>, window_params = [{transform_indices = #map}, {transform_indices = #map}, {transform_indices = #map}, {transform_indices = #map}, {transform_indices = #map}, {transform_indices = #map}, {transform_indices = #map}, {transform_indices = #map}]} {
    %mul3A = arith.constant 2 : i32
    %mul3A_0 = arith.muli %arg1, %mul3A : i32
    %add3A = arith.addi %mul3A_0, %arg0 : i32
    %mul3A_1 = arith.constant 40 : i32
    %mul3A_2 = arith.muli %add3A, %mul3A_1 : i32
    "tpu.region"() ({
      %run_scoped3A = tpu.sem_alloc : memref<!tpu.dma_semaphore, #tpu.memory_space<semaphore_mem>>
      %dma_start3A = arith.constant 0 : i32
      %dma_start3A_8 = tpu.memref_slice %arg4[%mul3A_2, %dma_start3A] : memref<1280x128xi32, #tpu.memory_space<hbm>> -> memref<40x128xi32, #tpu.memory_space<hbm>>
      %dma_start3A_9 = arith.constant 0 : i32
      %dma_start3A_10 = tpu.memref_slice %arg4[%mul3A_2, %dma_start3A_9] : memref<1280x128xi32, #tpu.memory_space<hbm>> -> memref<40x128xi32, #tpu.memory_space<hbm>>
      tpu.enqueue_dma source(%dma_start3A_10 : memref<40x128xi32, #tpu.memory_space<hbm>>) target(%arg10 : memref<40x128xi32, #tpu.memory_space<vmem>>) target_semaphore(%run_scoped3A : memref<!tpu.dma_semaphore, #tpu.memory_space<semaphore_mem>>)
      %dma_wait3A = arith.constant 0 : i32
      %dma_wait3A_11 = tpu.memref_slice %arg4[%mul3A_2, %dma_wait3A] : memref<1280x128xi32, #tpu.memory_space<hbm>> -> memref<40x128xi32, #tpu.memory_space<hbm>>
      %dma_wait3A_12 = arith.constant 0 : i32
      %dma_wait3A_13 = tpu.memref_slice %arg4[%mul3A_2, %dma_wait3A_12] : memref<1280x128xi32, #tpu.memory_space<hbm>> -> memref<40x128xi32, #tpu.memory_space<hbm>>
      tpu.wait_dma2 semaphore(%run_scoped3A : memref<!tpu.dma_semaphore, #tpu.memory_space<semaphore_mem>>) src(%dma_wait3A_13 : memref<40x128xi32, #tpu.memory_space<hbm>>) dst(%arg10 : memref<40x128xi32, #tpu.memory_space<vmem>>)
      tpu.yield
    }) : () -> ()
    "tpu.region"() ({
      %run_scoped3A = tpu.sem_alloc : memref<!tpu.dma_semaphore, #tpu.memory_space<semaphore_mem>>
      %dma_start3A = arith.constant 0 : i32
      %dma_start3A_8 = tpu.memref_slice %arg5[%mul3A_2, %dma_start3A] : memref<1280x128xi32, #tpu.memory_space<hbm>> -> memref<40x128xi32, #tpu.memory_space<hbm>>
      %dma_start3A_9 = arith.constant 0 : i32
      %dma_start3A_10 = tpu.memref_slice %arg5[%mul3A_2, %dma_start3A_9] : memref<1280x128xi32, #tpu.memory_space<hbm>> -> memref<40x128xi32, #tpu.memory_space<hbm>>
      tpu.enqueue_dma source(%dma_start3A_10 : memref<40x128xi32, #tpu.memory_space<hbm>>) target(%arg11 : memref<40x128xi32, #tpu.memory_space<vmem>>) target_semaphore(%run_scoped3A : memref<!tpu.dma_semaphore, #tpu.memory_space<semaphore_mem>>)
      %dma_wait3A = arith.constant 0 : i32
      %dma_wait3A_11 = tpu.memref_slice %arg5[%mul3A_2, %dma_wait3A] : memref<1280x128xi32, #tpu.memory_space<hbm>> -> memref<40x128xi32, #tpu.memory_space<hbm>>
      %dma_wait3A_12 = arith.constant 0 : i32
      %dma_wait3A_13 = tpu.memref_slice %arg5[%mul3A_2, %dma_wait3A_12] : memref<1280x128xi32, #tpu.memory_space<hbm>> -> memref<40x128xi32, #tpu.memory_space<hbm>>
      tpu.wait_dma2 semaphore(%run_scoped3A : memref<!tpu.dma_semaphore, #tpu.memory_space<semaphore_mem>>) src(%dma_wait3A_13 : memref<40x128xi32, #tpu.memory_space<hbm>>) dst(%arg11 : memref<40x128xi32, #tpu.memory_space<vmem>>)
      tpu.yield
    }) : () -> ()
    "tpu.region"() ({
      %run_scoped3A = tpu.sem_alloc : memref<!tpu.dma_semaphore, #tpu.memory_space<semaphore_mem>>
      %dma_start3A = arith.constant 0 : i32
      %dma_start3A_8 = tpu.memref_slice %arg6[%mul3A_2, %dma_start3A] : memref<1280x128xi32, #tpu.memory_space<hbm>> -> memref<40x128xi32, #tpu.memory_space<hbm>>
      %dma_start3A_9 = arith.constant 0 : i32
      %dma_start3A_10 = tpu.memref_slice %arg6[%mul3A_2, %dma_start3A_9] : memref<1280x128xi32, #tpu.memory_space<hbm>> -> memref<40x128xi32, #tpu.memory_space<hbm>>
      tpu.enqueue_dma source(%dma_start3A_10 : memref<40x128xi32, #tpu.memory_space<hbm>>) target(%arg12 : memref<40x128xi32, #tpu.memory_space<vmem>>) target_semaphore(%run_scoped3A : memref<!tpu.dma_semaphore, #tpu.memory_space<semaphore_mem>>)
      %dma_wait3A = arith.constant 0 : i32
      %dma_wait3A_11 = tpu.memref_slice %arg6[%mul3A_2, %dma_wait3A] : memref<1280x128xi32, #tpu.memory_space<hbm>> -> memref<40x128xi32, #tpu.memory_space<hbm>>
      %dma_wait3A_12 = arith.constant 0 : i32
      %dma_wait3A_13 = tpu.memref_slice %arg6[%mul3A_2, %dma_wait3A_12] : memref<1280x128xi32, #tpu.memory_space<hbm>> -> memref<40x128xi32, #tpu.memory_space<hbm>>
      tpu.wait_dma2 semaphore(%run_scoped3A : memref<!tpu.dma_semaphore, #tpu.memory_space<semaphore_mem>>) src(%dma_wait3A_13 : memref<40x128xi32, #tpu.memory_space<hbm>>) dst(%arg12 : memref<40x128xi32, #tpu.memory_space<vmem>>)
      tpu.yield
    }) : () -> ()
    %scan3A = arith.constant 0 : i32
    %scan3A_3 = arith.constant 0 : i32
    %scan3A_4 = arith.constant 40 : i32
    %scan3A_5 = arith.addi %scan3A_3, %scan3A_4 : i32
    %scan3A_6 = arith.constant 1 : i32
    scf.for %scan3A_8 = %scan3A_3 to %scan3A_5 step %scan3A_6  : i32 {
      %add3A_9 = arith.addi %mul3A_2, %scan3A_8 : i32
      %mul3A_10 = arith.constant 128 : i32
      %mul3A_11 = arith.muli %add3A_9, %mul3A_10 : i32
      %dma_start3A = arith.constant 0 : i32
      %dma_start3A_12 = tpu.memref_slice %arg10[%scan3A_8, %dma_start3A] : memref<40x128xi32, #tpu.memory_space<vmem>> -> memref<1x128xi32, #tpu.memory_space<vmem>>
      %dma_start3A_13 = tpu.memref_squeeze %dma_start3A_12 : memref<1x128xi32, #tpu.memory_space<vmem>> -> memref<128xi32, #tpu.memory_space<vmem>>
      %dma_start3A_14 = arith.constant 0 : i32
      %dma_start3A_15 = arith.constant 0 : i32
      %dma_start3A_16 = tpu.memref_slice %arg2[%dma_start3A_14, %dma_start3A_15] : memref<10000x16xf32, #tpu.memory_space<hbm>> -> memref<10000x16xf32, #tpu.memory_space<hbm>>
      tpu.enqueue_indirect_dma source(%dma_start3A_16 : memref<10000x16xf32, #tpu.memory_space<hbm>>) target(%arg13 : memref<128x16xf32, #tpu.memory_space<vmem>>) offsets(%dma_start3A_13 : memref<128xi32, #tpu.memory_space<vmem>>) semaphore(%arg16 : memref<!tpu.dma_semaphore, #tpu.memory_space<semaphore_mem>>)
      %dma_start3A_17 = arith.constant 0 : i32
      %dma_start3A_18 = tpu.memref_slice %arg11[%scan3A_8, %dma_start3A_17] : memref<40x128xi32, #tpu.memory_space<vmem>> -> memref<1x128xi32, #tpu.memory_space<vmem>>
      %dma_start3A_19 = tpu.memref_squeeze %dma_start3A_18 : memref<1x128xi32, #tpu.memory_space<vmem>> -> memref<128xi32, #tpu.memory_space<vmem>>
      %dma_start3A_20 = arith.constant 0 : i32
      %dma_start3A_21 = arith.constant 0 : i32
      %dma_start3A_22 = tpu.memref_slice %arg2[%dma_start3A_20, %dma_start3A_21] : memref<10000x16xf32, #tpu.memory_space<hbm>> -> memref<10000x16xf32, #tpu.memory_space<hbm>>
      tpu.enqueue_indirect_dma source(%dma_start3A_22 : memref<10000x16xf32, #tpu.memory_space<hbm>>) target(%arg14 : memref<128x16xf32, #tpu.memory_space<vmem>>) offsets(%dma_start3A_19 : memref<128xi32, #tpu.memory_space<vmem>>) semaphore(%arg17 : memref<!tpu.dma_semaphore, #tpu.memory_space<semaphore_mem>>)
      %dma_start3A_23 = arith.constant 0 : i32
      %dma_start3A_24 = tpu.memref_slice %arg12[%scan3A_8, %dma_start3A_23] : memref<40x128xi32, #tpu.memory_space<vmem>> -> memref<1x128xi32, #tpu.memory_space<vmem>>
      %dma_start3A_25 = tpu.memref_squeeze %dma_start3A_24 : memref<1x128xi32, #tpu.memory_space<vmem>> -> memref<128xi32, #tpu.memory_space<vmem>>
      %dma_start3A_26 = arith.constant 0 : i32
      %dma_start3A_27 = arith.constant 0 : i32
      %dma_start3A_28 = tpu.memref_slice %arg3[%dma_start3A_26, %dma_start3A_27] : memref<6250000x16xf32, #tpu.memory_space<hbm>> -> memref<6250000x16xf32, #tpu.memory_space<hbm>>
      tpu.enqueue_indirect_dma source(%dma_start3A_28 : memref<6250000x16xf32, #tpu.memory_space<hbm>>) target(%arg15 : memref<128x16xf32, #tpu.memory_space<vmem>>) offsets(%dma_start3A_25 : memref<128xi32, #tpu.memory_space<vmem>>) semaphore(%arg18 : memref<!tpu.dma_semaphore, #tpu.memory_space<semaphore_mem>>)
      %dma_wait3A = arith.constant 0 : i32
      %dma_wait3A_29 = tpu.memref_slice %arg10[%scan3A_8, %dma_wait3A] : memref<40x128xi32, #tpu.memory_space<vmem>> -> memref<1x128xi32, #tpu.memory_space<vmem>>
      %dma_wait3A_30 = tpu.memref_squeeze %dma_wait3A_29 : memref<1x128xi32, #tpu.memory_space<vmem>> -> memref<128xi32, #tpu.memory_space<vmem>>
      %dma_wait3A_31 = arith.constant 0 : i32
      %dma_wait3A_32 = arith.constant 0 : i32
      %dma_wait3A_33 = tpu.memref_slice %arg2[%dma_wait3A_31, %dma_wait3A_32] : memref<10000x16xf32, #tpu.memory_space<hbm>> -> memref<10000x16xf32, #tpu.memory_space<hbm>>
      tpu.wait_indirect_dma semaphore(%arg16 : memref<!tpu.dma_semaphore, #tpu.memory_space<semaphore_mem>>) src(%dma_wait3A_33 : memref<10000x16xf32, #tpu.memory_space<hbm>>) dst(%arg13 : memref<128x16xf32, #tpu.memory_space<vmem>>)
      "tpu.region"() ({
        %run_scoped3A = tpu.sem_alloc : memref<!tpu.dma_semaphore, #tpu.memory_space<semaphore_mem>>
        %dma_start3A_46 = arith.constant 0 : i32
        %dma_start3A_47 = tpu.memref_slice %arg7[%mul3A_11, %dma_start3A_46] : memref<163840x16xf32, #tpu.memory_space<hbm>> -> memref<128x16xf32, #tpu.memory_space<hbm>>
        %dma_start3A_48 = arith.constant 0 : i32
        %dma_start3A_49 = tpu.memref_slice %arg7[%mul3A_11, %dma_start3A_48] : memref<163840x16xf32, #tpu.memory_space<hbm>> -> memref<128x16xf32, #tpu.memory_space<hbm>>
        tpu.enqueue_dma source(%arg13 : memref<128x16xf32, #tpu.memory_space<vmem>>) target(%dma_start3A_49 : memref<128x16xf32, #tpu.memory_space<hbm>>) target_semaphore(%run_scoped3A : memref<!tpu.dma_semaphore, #tpu.memory_space<semaphore_mem>>)
        %dma_wait3A_50 = arith.constant 0 : i32
        %dma_wait3A_51 = tpu.memref_slice %arg7[%mul3A_11, %dma_wait3A_50] : memref<163840x16xf32, #tpu.memory_space<hbm>> -> memref<128x16xf32, #tpu.memory_space<hbm>>
        %dma_wait3A_52 = arith.constant 0 : i32
        %dma_wait3A_53 = tpu.memref_slice %arg7[%mul3A_11, %dma_wait3A_52] : memref<163840x16xf32, #tpu.memory_space<hbm>> -> memref<128x16xf32, #tpu.memory_space<hbm>>
        tpu.wait_dma2 semaphore(%run_scoped3A : memref<!tpu.dma_semaphore, #tpu.memory_space<semaphore_mem>>) src(%arg13 : memref<128x16xf32, #tpu.memory_space<vmem>>) dst(%dma_wait3A_53 : memref<128x16xf32, #tpu.memory_space<hbm>>)
        tpu.yield
      }) : () -> ()
      %dma_wait3A_34 = arith.constant 0 : i32
      %dma_wait3A_35 = tpu.memref_slice %arg11[%scan3A_8, %dma_wait3A_34] : memref<40x128xi32, #tpu.memory_space<vmem>> -> memref<1x128xi32, #tpu.memory_space<vmem>>
      %dma_wait3A_36 = tpu.memref_squeeze %dma_wait3A_35 : memref<1x128xi32, #tpu.memory_space<vmem>> -> memref<128xi32, #tpu.memory_space<vmem>>
      %dma_wait3A_37 = arith.constant 0 : i32
      %dma_wait3A_38 = arith.constant 0 : i32
      %dma_wait3A_39 = tpu.memref_slice %arg2[%dma_wait3A_37, %dma_wait3A_38] : memref<10000x16xf32, #tpu.memory_space<hbm>> -> memref<10000x16xf32, #tpu.memory_space<hbm>>
      tpu.wait_indirect_dma semaphore(%arg17 : memref<!tpu.dma_semaphore, #tpu.memory_space<semaphore_mem>>) src(%dma_wait3A_39 : memref<10000x16xf32, #tpu.memory_space<hbm>>) dst(%arg14 : memref<128x16xf32, #tpu.memory_space<vmem>>)
      "tpu.region"() ({
        %run_scoped3A = tpu.sem_alloc : memref<!tpu.dma_semaphore, #tpu.memory_space<semaphore_mem>>
        %dma_start3A_46 = arith.constant 0 : i32
        %dma_start3A_47 = tpu.memref_slice %arg8[%mul3A_11, %dma_start3A_46] : memref<163840x16xf32, #tpu.memory_space<hbm>> -> memref<128x16xf32, #tpu.memory_space<hbm>>
        %dma_start3A_48 = arith.constant 0 : i32
        %dma_start3A_49 = tpu.memref_slice %arg8[%mul3A_11, %dma_start3A_48] : memref<163840x16xf32, #tpu.memory_space<hbm>> -> memref<128x16xf32, #tpu.memory_space<hbm>>
        tpu.enqueue_dma source(%arg14 : memref<128x16xf32, #tpu.memory_space<vmem>>) target(%dma_start3A_49 : memref<128x16xf32, #tpu.memory_space<hbm>>) target_semaphore(%run_scoped3A : memref<!tpu.dma_semaphore, #tpu.memory_space<semaphore_mem>>)
        %dma_wait3A_50 = arith.constant 0 : i32
        %dma_wait3A_51 = tpu.memref_slice %arg8[%mul3A_11, %dma_wait3A_50] : memref<163840x16xf32, #tpu.memory_space<hbm>> -> memref<128x16xf32, #tpu.memory_space<hbm>>
        %dma_wait3A_52 = arith.constant 0 : i32
        %dma_wait3A_53 = tpu.memref_slice %arg8[%mul3A_11, %dma_wait3A_52] : memref<163840x16xf32, #tpu.memory_space<hbm>> -> memref<128x16xf32, #tpu.memory_space<hbm>>
        tpu.wait_dma2 semaphore(%run_scoped3A : memref<!tpu.dma_semaphore, #tpu.memory_space<semaphore_mem>>) src(%arg14 : memref<128x16xf32, #tpu.memory_space<vmem>>) dst(%dma_wait3A_53 : memref<128x16xf32, #tpu.memory_space<hbm>>)
        tpu.yield
      }) : () -> ()
      %dma_wait3A_40 = arith.constant 0 : i32
      %dma_wait3A_41 = tpu.memref_slice %arg12[%scan3A_8, %dma_wait3A_40] : memref<40x128xi32, #tpu.memory_space<vmem>> -> memref<1x128xi32, #tpu.memory_space<vmem>>
      %dma_wait3A_42 = tpu.memref_squeeze %dma_wait3A_41 : memref<1x128xi32, #tpu.memory_space<vmem>> -> memref<128xi32, #tpu.memory_space<vmem>>
      %dma_wait3A_43 = arith.constant 0 : i32
      %dma_wait3A_44 = arith.constant 0 : i32
      %dma_wait3A_45 = tpu.memref_slice %arg3[%dma_wait3A_43, %dma_wait3A_44] : memref<6250000x16xf32, #tpu.memory_space<hbm>> -> memref<6250000x16xf32, #tpu.memory_space<hbm>>
      tpu.wait_indirect_dma semaphore(%arg18 : memref<!tpu.dma_semaphore, #tpu.memory_space<semaphore_mem>>) src(%dma_wait3A_45 : memref<6250000x16xf32, #tpu.memory_space<hbm>>) dst(%arg15 : memref<128x16xf32, #tpu.memory_space<vmem>>)
      "tpu.region"() ({
        %run_scoped3A = tpu.sem_alloc : memref<!tpu.dma_semaphore, #tpu.memory_space<semaphore_mem>>
        %dma_start3A_46 = arith.constant 0 : i32
        %dma_start3A_47 = tpu.memref_slice %arg9[%mul3A_11, %dma_start3A_46] : memref<163840x16xf32, #tpu.memory_space<hbm>> -> memref<128x16xf32, #tpu.memory_space<hbm>>
        %dma_start3A_48 = arith.constant 0 : i32
        %dma_start3A_49 = tpu.memref_slice %arg9[%mul3A_11, %dma_start3A_48] : memref<163840x16xf32, #tpu.memory_space<hbm>> -> memref<128x16xf32, #tpu.memory_space<hbm>>
        tpu.enqueue_dma source(%arg15 : memref<128x16xf32, #tpu.memory_space<vmem>>) target(%dma_start3A_49 : memref<128x16xf32, #tpu.memory_space<hbm>>) target_semaphore(%run_scoped3A : memref<!tpu.dma_semaphore, #tpu.memory_space<semaphore_mem>>)
        %dma_wait3A_50 = arith.constant 0 : i32
        %dma_wait3A_51 = tpu.memref_slice %arg9[%mul3A_11, %dma_wait3A_50] : memref<163840x16xf32, #tpu.memory_space<hbm>> -> memref<128x16xf32, #tpu.memory_space<hbm>>
        %dma_wait3A_52 = arith.constant 0 : i32
        %dma_wait3A_53 = tpu.memref_slice %arg9[%mul3A_11, %dma_wait3A_52] : memref<163840x16xf32, #tpu.memory_space<hbm>> -> memref<128x16xf32, #tpu.memory_space<hbm>>
        tpu.wait_dma2 semaphore(%run_scoped3A : memref<!tpu.dma_semaphore, #tpu.memory_space<semaphore_mem>>) src(%arg15 : memref<128x16xf32, #tpu.memory_space<vmem>>) dst(%dma_wait3A_53 : memref<128x16xf32, #tpu.memory_space<hbm>>)
        tpu.yield
      }) : () -> ()
    }
    %scan3A_7 = arith.constant 40 : i32
    return
  }
}

#map = affine_map<(d0, d1) -> (0, 0)>
#map1 = affine_map<(d0, d1) -> (0, 0, 0)>
module attributes {stable_mosaic.version = 14 : i64} {
  func.func @ksum(%arg0: i32, %arg1: i32, %arg2: memref<10000x16xf32, #tpu.memory_space<hbm>>, %arg3: memref<1280x128xi32, #tpu.memory_space<hbm>>, %arg4: memref<1280x128xi32, #tpu.memory_space<hbm>>, %arg5: memref<2x10240x16xf32, #tpu.memory_space<hbm>>, %arg6: memref<40x128xi32, #tpu.memory_space<vmem>>, %arg7: memref<40x128xi32, #tpu.memory_space<vmem>>, %arg8: memref<128x16xf32, #tpu.memory_space<vmem>>, %arg9: memref<640x16xf32, #tpu.memory_space<vmem>>, %arg10: memref<10240x16xf32, #tpu.memory_space<vmem_shared>>, %arg11: memref<!tpu.dma_semaphore, #tpu.memory_space<semaphore_mem>>) attributes {dimension_semantics = [#tpu.dimension_semantics<core_parallel>, #tpu.dimension_semantics<subcore_parallel>], iteration_bounds = array<i64: 2, 16>, scalar_prefetch = 0 : i64, scratch_operands = 6 : i64, tpu.core_type = #tpu.core_type<sc_vector_subcore>, window_params = [{transform_indices = #map}, {transform_indices = #map}, {transform_indices = #map}, {transform_indices = #map1}]} {
    %mul3A = arith.constant 2 : i32
    %mul3A_0 = arith.muli %arg1, %mul3A : i32
    %add3A = arith.addi %mul3A_0, %arg0 : i32
    %scan3A = arith.constant 0 : i32
    %scan3A_1 = arith.constant 0 : i32
    %scan3A_2 = arith.constant 640 : i32
    %scan3A_3 = arith.addi %scan3A_1, %scan3A_2 : i32
    %scan3A_4 = arith.constant 1 : i32
    scf.for %scan3A_23 = %scan3A_1 to %scan3A_3 step %scan3A_4  : i32 {
      %broadcast_in_dim3A = arith.constant 0.000000e+00 : f32
      %broadcast_in_dim3A_24 = vector.broadcast %broadcast_in_dim3A : f32 to vector<16xf32>
      %swap3A = arith.index_cast %scan3A_23 : i32 to index
      %swap3A_25 = arith.constant 0 : index
      %swap3A_26 = tpu.vector_load %arg9[%swap3A, %swap3A_25] {strides = array<i32>} : memref<640x16xf32, #tpu.memory_space<vmem>>, vector<1x16xf32>,
      %swap3A_27 = vector.shape_cast %swap3A_26 : vector<1x16xf32> to vector<16xf32>
      %swap3A_28 = vector.shape_cast %broadcast_in_dim3A_24 : vector<16xf32> to vector<1x16xf32>
      tpu.vector_store %arg9[%swap3A, %swap3A_25], %swap3A_28 {strides = array<i32>} : memref<640x16xf32, #tpu.memory_space<vmem>>, vector<1x16xf32>,
    }
    %scan3A_5 = arith.constant 640 : i32
    %mul3A_6 = arith.constant 640 : i32
    %mul3A_7 = arith.muli %arg1, %mul3A_6 : i32
    "tpu.region"() ({
      %run_scoped3A = tpu.sem_alloc : memref<!tpu.dma_semaphore, #tpu.memory_space<semaphore_mem>>
      %dma_start3A = arith.constant 0 : i32
      %dma_start3A_23 = tpu.memref_slice %arg10[%mul3A_7, %dma_start3A] : memref<10240x16xf32, #tpu.memory_space<vmem_shared>> -> memref<640x16xf32, #tpu.memory_space<vmem_shared>>
      %dma_start3A_24 = arith.constant 0 : i32
      %dma_start3A_25 = tpu.memref_slice %arg10[%mul3A_7, %dma_start3A_24] : memref<10240x16xf32, #tpu.memory_space<vmem_shared>> -> memref<640x16xf32, #tpu.memory_space<vmem_shared>>
      tpu.enqueue_dma source(%arg9 : memref<640x16xf32, #tpu.memory_space<vmem>>) target(%dma_start3A_25 : memref<640x16xf32, #tpu.memory_space<vmem_shared>>) target_semaphore(%run_scoped3A : memref<!tpu.dma_semaphore, #tpu.memory_space<semaphore_mem>>)
      %dma_wait3A = arith.constant 0 : i32
      %dma_wait3A_26 = tpu.memref_slice %arg10[%mul3A_7, %dma_wait3A] : memref<10240x16xf32, #tpu.memory_space<vmem_shared>> -> memref<640x16xf32, #tpu.memory_space<vmem_shared>>
      %dma_wait3A_27 = arith.constant 0 : i32
      %dma_wait3A_28 = tpu.memref_slice %arg10[%mul3A_7, %dma_wait3A_27] : memref<10240x16xf32, #tpu.memory_space<vmem_shared>> -> memref<640x16xf32, #tpu.memory_space<vmem_shared>>
      tpu.wait_dma2 semaphore(%run_scoped3A : memref<!tpu.dma_semaphore, #tpu.memory_space<semaphore_mem>>) src(%arg9 : memref<640x16xf32, #tpu.memory_space<vmem>>) dst(%dma_wait3A_28 : memref<640x16xf32, #tpu.memory_space<vmem_shared>>)
      tpu.yield
    }) : () -> ()
    %mul3A_8 = arith.constant 40 : i32
    %mul3A_9 = arith.muli %add3A, %mul3A_8 : i32
    "tpu.region"() ({
      %run_scoped3A = tpu.sem_alloc : memref<!tpu.dma_semaphore, #tpu.memory_space<semaphore_mem>>
      %dma_start3A = arith.constant 0 : i32
      %dma_start3A_23 = tpu.memref_slice %arg3[%mul3A_9, %dma_start3A] : memref<1280x128xi32, #tpu.memory_space<hbm>> -> memref<40x128xi32, #tpu.memory_space<hbm>>
      %dma_start3A_24 = arith.constant 0 : i32
      %dma_start3A_25 = tpu.memref_slice %arg3[%mul3A_9, %dma_start3A_24] : memref<1280x128xi32, #tpu.memory_space<hbm>> -> memref<40x128xi32, #tpu.memory_space<hbm>>
      tpu.enqueue_dma source(%dma_start3A_25 : memref<40x128xi32, #tpu.memory_space<hbm>>) target(%arg6 : memref<40x128xi32, #tpu.memory_space<vmem>>) target_semaphore(%run_scoped3A : memref<!tpu.dma_semaphore, #tpu.memory_space<semaphore_mem>>)
      %dma_wait3A = arith.constant 0 : i32
      %dma_wait3A_26 = tpu.memref_slice %arg3[%mul3A_9, %dma_wait3A] : memref<1280x128xi32, #tpu.memory_space<hbm>> -> memref<40x128xi32, #tpu.memory_space<hbm>>
      %dma_wait3A_27 = arith.constant 0 : i32
      %dma_wait3A_28 = tpu.memref_slice %arg3[%mul3A_9, %dma_wait3A_27] : memref<1280x128xi32, #tpu.memory_space<hbm>> -> memref<40x128xi32, #tpu.memory_space<hbm>>
      tpu.wait_dma2 semaphore(%run_scoped3A : memref<!tpu.dma_semaphore, #tpu.memory_space<semaphore_mem>>) src(%dma_wait3A_28 : memref<40x128xi32, #tpu.memory_space<hbm>>) dst(%arg6 : memref<40x128xi32, #tpu.memory_space<vmem>>)
      tpu.yield
    }) : () -> ()
    %mul3A_10 = arith.constant 40 : i32
    %mul3A_11 = arith.muli %add3A, %mul3A_10 : i32
    "tpu.region"() ({
      %run_scoped3A = tpu.sem_alloc : memref<!tpu.dma_semaphore, #tpu.memory_space<semaphore_mem>>
      %dma_start3A = arith.constant 0 : i32
      %dma_start3A_23 = tpu.memref_slice %arg4[%mul3A_11, %dma_start3A] : memref<1280x128xi32, #tpu.memory_space<hbm>> -> memref<40x128xi32, #tpu.memory_space<hbm>>
      %dma_start3A_24 = arith.constant 0 : i32
      %dma_start3A_25 = tpu.memref_slice %arg4[%mul3A_11, %dma_start3A_24] : memref<1280x128xi32, #tpu.memory_space<hbm>> -> memref<40x128xi32, #tpu.memory_space<hbm>>
      tpu.enqueue_dma source(%dma_start3A_25 : memref<40x128xi32, #tpu.memory_space<hbm>>) target(%arg7 : memref<40x128xi32, #tpu.memory_space<vmem>>) target_semaphore(%run_scoped3A : memref<!tpu.dma_semaphore, #tpu.memory_space<semaphore_mem>>)
      %dma_wait3A = arith.constant 0 : i32
      %dma_wait3A_26 = tpu.memref_slice %arg4[%mul3A_11, %dma_wait3A] : memref<1280x128xi32, #tpu.memory_space<hbm>> -> memref<40x128xi32, #tpu.memory_space<hbm>>
      %dma_wait3A_27 = arith.constant 0 : i32
      %dma_wait3A_28 = tpu.memref_slice %arg4[%mul3A_11, %dma_wait3A_27] : memref<1280x128xi32, #tpu.memory_space<hbm>> -> memref<40x128xi32, #tpu.memory_space<hbm>>
      tpu.wait_dma2 semaphore(%run_scoped3A : memref<!tpu.dma_semaphore, #tpu.memory_space<semaphore_mem>>) src(%dma_wait3A_28 : memref<40x128xi32, #tpu.memory_space<hbm>>) dst(%arg7 : memref<40x128xi32, #tpu.memory_space<vmem>>)
      tpu.yield
    }) : () -> ()
    %barrier3A = arith.constant 0 : index
    tpu.barrier barrier_id(%barrier3A)
    %scan3A_12 = arith.constant 0 : i32
    %scan3A_13 = arith.constant 0 : i32
    %scan3A_14 = arith.constant 40 : i32
    %scan3A_15 = arith.addi %scan3A_13, %scan3A_14 : i32
    %scan3A_16 = arith.constant 1 : i32
    scf.for %scan3A_23 = %scan3A_13 to %scan3A_15 step %scan3A_16  : i32 {
      %dma_start3A = arith.constant 0 : i32
      %dma_start3A_24 = tpu.memref_slice %arg6[%scan3A_23, %dma_start3A] : memref<40x128xi32, #tpu.memory_space<vmem>> -> memref<1x128xi32, #tpu.memory_space<vmem>>
      %dma_start3A_25 = tpu.memref_squeeze %dma_start3A_24 : memref<1x128xi32, #tpu.memory_space<vmem>> -> memref<128xi32, #tpu.memory_space<vmem>>
      %dma_start3A_26 = arith.constant 0 : i32
      %dma_start3A_27 = arith.constant 0 : i32
      %dma_start3A_28 = tpu.memref_slice %arg2[%dma_start3A_26, %dma_start3A_27] : memref<10000x16xf32, #tpu.memory_space<hbm>> -> memref<10000x16xf32, #tpu.memory_space<hbm>>
      tpu.enqueue_indirect_dma source(%dma_start3A_28 : memref<10000x16xf32, #tpu.memory_space<hbm>>) target(%arg8 : memref<128x16xf32, #tpu.memory_space<vmem>>) offsets(%dma_start3A_25 : memref<128xi32, #tpu.memory_space<vmem>>) semaphore(%arg11 : memref<!tpu.dma_semaphore, #tpu.memory_space<semaphore_mem>>)
      %dma_wait3A = arith.constant 0 : i32
      %dma_wait3A_29 = tpu.memref_slice %arg6[%scan3A_23, %dma_wait3A] : memref<40x128xi32, #tpu.memory_space<vmem>> -> memref<1x128xi32, #tpu.memory_space<vmem>>
      %dma_wait3A_30 = tpu.memref_squeeze %dma_wait3A_29 : memref<1x128xi32, #tpu.memory_space<vmem>> -> memref<128xi32, #tpu.memory_space<vmem>>
      %dma_wait3A_31 = arith.constant 0 : i32
      %dma_wait3A_32 = arith.constant 0 : i32
      %dma_wait3A_33 = tpu.memref_slice %arg2[%dma_wait3A_31, %dma_wait3A_32] : memref<10000x16xf32, #tpu.memory_space<hbm>> -> memref<10000x16xf32, #tpu.memory_space<hbm>>
      tpu.wait_indirect_dma semaphore(%arg11 : memref<!tpu.dma_semaphore, #tpu.memory_space<semaphore_mem>>) src(%dma_wait3A_33 : memref<10000x16xf32, #tpu.memory_space<hbm>>) dst(%arg8 : memref<128x16xf32, #tpu.memory_space<vmem>>)
      "tpu.region"() ({
        %run_scoped3A = tpu.sem_alloc : memref<!tpu.dma_semaphore, #tpu.memory_space<semaphore_mem>>
        %dma_start3A_34 = arith.constant 0 : i32
        %dma_start3A_35 = tpu.memref_slice %arg7[%scan3A_23, %dma_start3A_34] : memref<40x128xi32, #tpu.memory_space<vmem>> -> memref<1x128xi32, #tpu.memory_space<vmem>>
        %dma_start3A_36 = tpu.memref_squeeze %dma_start3A_35 : memref<1x128xi32, #tpu.memory_space<vmem>> -> memref<128xi32, #tpu.memory_space<vmem>>
        %dma_start3A_37 = arith.constant 0 : i32
        %dma_start3A_38 = arith.constant 0 : i32
        %dma_start3A_39 = tpu.memref_slice %arg10[%dma_start3A_37, %dma_start3A_38] : memref<10240x16xf32, #tpu.memory_space<vmem_shared>> -> memref<10240x16xf32, #tpu.memory_space<vmem_shared>>
        tpu.enqueue_indirect_dma source(%arg8 : memref<128x16xf32, #tpu.memory_space<vmem>>) target(%dma_start3A_39 : memref<10240x16xf32, #tpu.memory_space<vmem_shared>>) offsets(%dma_start3A_36 : memref<128xi32, #tpu.memory_space<vmem>>) semaphore(%run_scoped3A : memref<!tpu.dma_semaphore, #tpu.memory_space<semaphore_mem>>) {add = true}
        %dma_wait3A_40 = arith.constant 0 : i32
        %dma_wait3A_41 = tpu.memref_slice %arg7[%scan3A_23, %dma_wait3A_40] : memref<40x128xi32, #tpu.memory_space<vmem>> -> memref<1x128xi32, #tpu.memory_space<vmem>>
        %dma_wait3A_42 = tpu.memref_squeeze %dma_wait3A_41 : memref<1x128xi32, #tpu.memory_space<vmem>> -> memref<128xi32, #tpu.memory_space<vmem>>
        %dma_wait3A_43 = arith.constant 0 : i32
        %dma_wait3A_44 = arith.constant 0 : i32
        %dma_wait3A_45 = tpu.memref_slice %arg10[%dma_wait3A_43, %dma_wait3A_44] : memref<10240x16xf32, #tpu.memory_space<vmem_shared>> -> memref<10240x16xf32, #tpu.memory_space<vmem_shared>>
        tpu.wait_indirect_dma semaphore(%run_scoped3A : memref<!tpu.dma_semaphore, #tpu.memory_space<semaphore_mem>>) src(%arg8 : memref<128x16xf32, #tpu.memory_space<vmem>>) dst(%dma_wait3A_45 : memref<10240x16xf32, #tpu.memory_space<vmem_shared>>)
        tpu.yield
      }) : () -> ()
    }
    %scan3A_17 = arith.constant 40 : i32
    %barrier3A_18 = arith.constant 0 : index
    tpu.barrier barrier_id(%barrier3A_18)
    %mul3A_19 = arith.constant 640 : i32
    %mul3A_20 = arith.muli %arg1, %mul3A_19 : i32
    "tpu.region"() ({
      %run_scoped3A = tpu.sem_alloc : memref<!tpu.dma_semaphore, #tpu.memory_space<semaphore_mem>>
      %dma_start3A = arith.constant 0 : i32
      %dma_start3A_23 = tpu.memref_slice %arg10[%mul3A_20, %dma_start3A] : memref<10240x16xf32, #tpu.memory_space<vmem_shared>> -> memref<640x16xf32, #tpu.memory_space<vmem_shared>>
      %dma_start3A_24 = arith.constant 0 : i32
      %dma_start3A_25 = tpu.memref_slice %arg10[%mul3A_20, %dma_start3A_24] : memref<10240x16xf32, #tpu.memory_space<vmem_shared>> -> memref<640x16xf32, #tpu.memory_space<vmem_shared>>
      tpu.enqueue_dma source(%dma_start3A_25 : memref<640x16xf32, #tpu.memory_space<vmem_shared>>) target(%arg9 : memref<640x16xf32, #tpu.memory_space<vmem>>) target_semaphore(%run_scoped3A : memref<!tpu.dma_semaphore, #tpu.memory_space<semaphore_mem>>)
      %dma_wait3A = arith.constant 0 : i32
      %dma_wait3A_26 = tpu.memref_slice %arg10[%mul3A_20, %dma_wait3A] : memref<10240x16xf32, #tpu.memory_space<vmem_shared>> -> memref<640x16xf32, #tpu.memory_space<vmem_shared>>
      %dma_wait3A_27 = arith.constant 0 : i32
      %dma_wait3A_28 = tpu.memref_slice %arg10[%mul3A_20, %dma_wait3A_27] : memref<10240x16xf32, #tpu.memory_space<vmem_shared>> -> memref<640x16xf32, #tpu.memory_space<vmem_shared>>
      tpu.wait_dma2 semaphore(%run_scoped3A : memref<!tpu.dma_semaphore, #tpu.memory_space<semaphore_mem>>) src(%dma_wait3A_28 : memref<640x16xf32, #tpu.memory_space<vmem_shared>>) dst(%arg9 : memref<640x16xf32, #tpu.memory_space<vmem>>)
      tpu.yield
    }) : () -> ()
    %mul3A_21 = arith.constant 640 : i32
    %mul3A_22 = arith.muli %arg1, %mul3A_21 : i32
    "tpu.region"() ({
      %run_scoped3A = tpu.sem_alloc : memref<!tpu.dma_semaphore, #tpu.memory_space<semaphore_mem>>
      %dma_start3A = arith.constant 0 : i32
      %dma_start3A_23 = tpu.memref_slice %arg5[%arg0, %mul3A_22, %dma_start3A] : memref<2x10240x16xf32, #tpu.memory_space<hbm>> -> memref<1x640x16xf32, #tpu.memory_space<hbm>>
      %dma_start3A_24 = tpu.memref_squeeze %dma_start3A_23 : memref<1x640x16xf32, #tpu.memory_space<hbm>> -> memref<640x16xf32, #tpu.memory_space<hbm>>
      %dma_start3A_25 = arith.constant 0 : i32
      %dma_start3A_26 = tpu.memref_slice %arg5[%arg0, %mul3A_22, %dma_start3A_25] : memref<2x10240x16xf32, #tpu.memory_space<hbm>> -> memref<1x640x16xf32, #tpu.memory_space<hbm>>
      %dma_start3A_27 = tpu.memref_squeeze %dma_start3A_26 : memref<1x640x16xf32, #tpu.memory_space<hbm>> -> memref<640x16xf32, #tpu.memory_space<hbm>>
      tpu.enqueue_dma source(%arg9 : memref<640x16xf32, #tpu.memory_space<vmem>>) target(%dma_start3A_27 : memref<640x16xf32, #tpu.memory_space<hbm>>) target_semaphore(%run_scoped3A : memref<!tpu.dma_semaphore, #tpu.memory_space<semaphore_mem>>)
      %dma_wait3A = arith.constant 0 : i32
      %dma_wait3A_28 = tpu.memref_slice %arg5[%arg0, %mul3A_22, %dma_wait3A] : memref<2x10240x16xf32, #tpu.memory_space<hbm>> -> memref<1x640x16xf32, #tpu.memory_space<hbm>>
      %dma_wait3A_29 = tpu.memref_squeeze %dma_wait3A_28 : memref<1x640x16xf32, #tpu.memory_space<hbm>> -> memref<640x16xf32, #tpu.memory_space<hbm>>
      %dma_wait3A_30 = arith.constant 0 : i32
      %dma_wait3A_31 = tpu.memref_slice %arg5[%arg0, %mul3A_22, %dma_wait3A_30] : memref<2x10240x16xf32, #tpu.memory_space<hbm>> -> memref<1x640x16xf32, #tpu.memory_space<hbm>>
      %dma_wait3A_32 = tpu.memref_squeeze %dma_wait3A_31 : memref<1x640x16xf32, #tpu.memory_space<hbm>> -> memref<640x16xf32, #tpu.memory_space<hbm>>
      tpu.wait_dma2 semaphore(%run_scoped3A : memref<!tpu.dma_semaphore, #tpu.memory_space<semaphore_mem>>) src(%arg9 : memref<640x16xf32, #tpu.memory_space<vmem>>) dst(%dma_wait3A_32 : memref<640x16xf32, #tpu.memory_space<hbm>>)
      tpu.yield
    }) : () -> ()
    return
  }
}

module attributes {stable_mosaic.version = 14 : i64} {
  func.func @_matmul_body(%arg0: memref<10000x128xf32, #tpu.memory_space<vmem>>, %arg1: memref<128x16xf32, #tpu.memory_space<vmem>>, %arg2: memref<10000x16xf32, #tpu.memory_space<vmem>>) attributes {dimension_semantics = [], scalar_prefetch = 0 : i64, scratch_operands = 0 : i64, tpu.core_type = #tpu.core_type<tc>} {
    %get3A = arith.constant 0 : index
    %get3A_0 = arith.constant 0 : index
    %get3A_1 = vector.load %arg0[%get3A, %get3A_0] : memref<10000x128xf32, #tpu.memory_space<vmem>>, vector<10000x128xf32>
    %get3A_2 = arith.constant 0 : index
    %get3A_3 = arith.constant 0 : index
    %get3A_4 = vector.load %arg1[%get3A_2, %get3A_3] : memref<128x16xf32, #tpu.memory_space<vmem>>, vector<128x16xf32>
    %dot_general3A = arith.constant dense<0.000000e+00> : vector<10000x16xf32>
    %dot_general3A_5 = tpu.matmul %get3A_1, %get3A_4, %dot_general3A {dimension_numbers = #tpu.dot_dimension_numbers<[1], [0], [0], [1], [0, 0, 1, 1], [], []>, transpose_lhs_hint = false} : vector<10000x128xf32>, vector<128x16xf32>, vector<10000x16xf32> -> vector<10000x16xf32>
    %swap3A = arith.constant 0 : index
    %swap3A_6 = arith.constant 0 : index
    %swap3A_7 = vector.load %arg2[%swap3A, %swap3A_6] : memref<10000x16xf32, #tpu.memory_space<vmem>>, vector<10000x16xf32>
    tpu.vector_store %arg2[%swap3A, %swap3A_6], %dot_general3A_5 {strides = array<i32>} : memref<10000x16xf32, #tpu.memory_space<vmem>>, vector<10000x16xf32>,
    return
  }
}

module attributes {stable_mosaic.version = 14 : i64} {
  func.func @_dense_body(%arg0: i32, %arg1: memref<10000x16xf32, #tpu.memory_space<vmem>>, %arg2: memref<10000x16xf32, #tpu.memory_space<vmem>>, %arg3: memref<200x16xf32, #tpu.memory_space<vmem>>, %arg4: memref<200x16xf32, #tpu.memory_space<vmem>>, %arg5: memref<128x16xf32, #tpu.memory_space<vmem>>, %arg6: memref<200x10000xf32, #tpu.memory_space<vmem>>, %arg7: memref<10000x16xf32, #tpu.memory_space<vmem>>, %arg8: memref<8x128xf32, #tpu.memory_space<vmem>>) attributes {dimension_semantics = [#tpu.dimension_semantics<arbitrary>], iteration_bounds = array<i64: 50>, scalar_prefetch = 0 : i64, scratch_operands = 0 : i64, tpu.core_type = #tpu.core_type<tc>, window_params = [{pipeline_mode = #tpu.pipeline_mode<synchronous>, transform_indices = @transform_0, window_bounds = array<i64: 10000, 16>}, {pipeline_mode = #tpu.pipeline_mode<synchronous>, transform_indices = @transform_1, window_bounds = array<i64: 10000, 16>}, {transform_indices = @transform_2, window_bounds = array<i64: 200, 16>}, {transform_indices = @transform_3, window_bounds = array<i64: 200, 16>}, {pipeline_mode = #tpu.pipeline_mode<synchronous>, transform_indices = @transform_4, window_bounds = array<i64: 128, 16>}, {transform_indices = @transform_5, window_bounds = array<i64: 200, 10000>}, {pipeline_mode = #tpu.pipeline_mode<synchronous>, transform_indices = @transform_6, window_bounds = array<i64: 10000, 16>}, {pipeline_mode = #tpu.pipeline_mode<synchronous>, transform_indices = @transform_7, window_bounds = array<i64: 8, 128>}]} {
    %get3A = arith.constant 0 : index
    %get3A_0 = arith.constant 0 : index
    %get3A_1 = vector.load %arg1[%get3A, %get3A_0] : memref<10000x16xf32, #tpu.memory_space<vmem>>, vector<10000x16xf32>
    %get3A_2 = arith.constant 0 : index
    %get3A_3 = arith.constant 0 : index
    %get3A_4 = vector.load %arg2[%get3A_2, %get3A_3] : memref<10000x16xf32, #tpu.memory_space<vmem>>, vector<10000x16xf32>
    %add3A = arith.addf %get3A_1, %get3A_4 : vector<10000x16xf32>
    %max3A = arith.constant 0.000000e+00 : f32
    %max3A_5 = vector.broadcast %max3A : f32 to vector<10000x16xf32>
    %max3A_6 = arith.maximumf %add3A, %max3A_5 : vector<10000x16xf32>
    %eq3A = arith.constant 0 : i32
    %eq3A_7 = arith.cmpi eq, %arg0, %eq3A : i32
    %convert_element_type3A = arith.extui %eq3A_7 : i1 to i32
    %cond3A = arith.constant 0 : i32
    %cond3A_8 = arith.cmpi ne, %convert_element_type3A, %cond3A : i32
    scf.if %cond3A_8 {
      %swap3A_83 = arith.constant 0 : index
      %swap3A_84 = arith.constant 0 : index
      %swap3A_85 = vector.load %arg7[%swap3A_83, %swap3A_84] : memref<10000x16xf32, #tpu.memory_space<vmem>>, vector<10000x16xf32>
      tpu.vector_store %arg7[%swap3A_83, %swap3A_84], %max3A_6 {strides = array<i32>} : memref<10000x16xf32, #tpu.memory_space<vmem>>, vector<10000x16xf32>,
      %broadcast_in_dim3A_86 = arith.constant 0.000000e+00 : f32
      %broadcast_in_dim3A_87 = vector.broadcast %broadcast_in_dim3A_86 : f32 to vector<8x128xf32>
      %swap3A_88 = arith.constant 0 : index
      %swap3A_89 = arith.constant 0 : index
      %swap3A_90 = vector.load %arg8[%swap3A_88, %swap3A_89] : memref<8x128xf32, #tpu.memory_space<vmem>>, vector<8x128xf32>
      tpu.vector_store %arg8[%swap3A_88, %swap3A_89], %broadcast_in_dim3A_87 {strides = array<i32>} : memref<8x128xf32, #tpu.memory_space<vmem>>, vector<8x128xf32>,
    } else {
    }
    %get3A_9 = arith.constant 0 : index
    %get3A_10 = arith.constant 0 : index
    %get3A_11 = vector.load %arg3[%get3A_9, %get3A_10] : memref<200x16xf32, #tpu.memory_space<vmem>>, vector<200x16xf32>
    %get3A_12 = arith.constant 0 : index
    %get3A_13 = arith.constant 0 : index
    %get3A_14 = vector.load %arg4[%get3A_12, %get3A_13] : memref<200x16xf32, #tpu.memory_space<vmem>>, vector<200x16xf32>
    %add3A_15 = arith.addf %get3A_11, %get3A_14 : vector<200x16xf32>
    %max3A_16 = arith.constant 0.000000e+00 : f32
    %max3A_17 = vector.broadcast %max3A_16 : f32 to vector<200x16xf32>
    %max3A_18 = arith.maximumf %add3A_15, %max3A_17 : vector<200x16xf32>
    %dot_general3A = arith.constant dense<0.000000e+00> : vector<200x10000xf32>
    %dot_general3A_19 = tpu.matmul %max3A_18, %max3A_6, %dot_general3A {dimension_numbers = #tpu.dot_dimension_numbers<[1], [1], [0], [0], [0, 0, 1, 0], [], []>, transpose_lhs_hint = false} : vector<200x16xf32>, vector<10000x16xf32>, vector<200x10000xf32> -> vector<200x10000xf32>
    %get3A_20 = arith.constant 0 : index
    %get3A_21 = arith.constant 0 : index
    %get3A_22 = vector.load %arg6[%get3A_20, %get3A_21] : memref<200x10000xf32, #tpu.memory_space<vmem>>, vector<200x10000xf32>
    %abs3A = math.absf %dot_general3A_19 : vector<200x10000xf32>
    %max3A_23 = arith.constant 0.000000e+00 : f32
    %max3A_24 = vector.broadcast %max3A_23 : f32 to vector<200x10000xf32>
    %max3A_25 = arith.maximumf %dot_general3A_19, %max3A_24 : vector<200x10000xf32>
    %neg3A = arith.constant 0.000000e+00 : f32
    %neg3A_26 = vector.broadcast %neg3A : f32 to vector<200x10000xf32>
    %neg3A_27 = arith.subf %neg3A_26, %abs3A : vector<200x10000xf32>
    %exp3A = math.exp %neg3A_27 : vector<200x10000xf32>
    %log1p3A = math.log1p %exp3A : vector<200x10000xf32>
    %add3A_28 = arith.addf %max3A_25, %log1p3A : vector<200x10000xf32>
    %mul3A = arith.mulf %add3A_28, %get3A_22 : vector<200x10000xf32>
    %reduce_sum3A = vector.shape_cast %mul3A : vector<200x10000xf32> to vector<1x200x10000xf32>
    %reduce_sum3A_29 = arith.constant dense<0.000000e+00> : vector<1xf32>
    %reduce_sum3A_30 = vector.multi_reduction <add>, %reduce_sum3A, %reduce_sum3A_29 [1, 2] : vector<1x200x10000xf32> to vector<1xf32>
    %reduce_sum3A_31 = vector.shape_cast %reduce_sum3A_30 : vector<1xf32> to vector<1x1x1xf32>
    %reduce_sum3A_32 = vector.extract %reduce_sum3A_31[0, 0, 0] : f32 from vector<1x1x1xf32>
    %reduce_sum3A_33 = vector.shape_cast %get3A_22 : vector<200x10000xf32> to vector<1x200x10000xf32>
    %reduce_sum3A_34 = arith.constant dense<0.000000e+00> : vector<1xf32>
    %reduce_sum3A_35 = vector.multi_reduction <add>, %reduce_sum3A_33, %reduce_sum3A_34 [1, 2] : vector<1x200x10000xf32> to vector<1xf32>
    %reduce_sum3A_36 = vector.shape_cast %reduce_sum3A_35 : vector<1xf32> to vector<1x1x1xf32>
    %reduce_sum3A_37 = vector.extract %reduce_sum3A_36[0, 0, 0] : f32 from vector<1x1x1xf32>
    %eq3A_38 = arith.constant 0 : i32
    %eq3A_39 = arith.cmpi eq, %arg0, %eq3A_38 : i32
    %get3A_40 = arith.constant 0 : index
    %get3A_41 = arith.constant 0 : index
    %get3A_42 = vector.load %arg5[%get3A_40, %get3A_41] : memref<128x16xf32, #tpu.memory_space<vmem>>, vector<128x16xf32>
    %get3A_43 = arith.constant 0 : index
    %get3A_44 = arith.constant 0 : index
    %get3A_45 = vector.load %arg5[%get3A_43, %get3A_44] : memref<128x16xf32, #tpu.memory_space<vmem>>, vector<128x16xf32>
    %mul3A_46 = arith.mulf %get3A_42, %get3A_45 : vector<128x16xf32>
    %reduce_sum3A_47 = vector.shape_cast %mul3A_46 : vector<128x16xf32> to vector<1x128x16xf32>
    %reduce_sum3A_48 = arith.constant dense<0.000000e+00> : vector<1xf32>
    %reduce_sum3A_49 = vector.multi_reduction <add>, %reduce_sum3A_47, %reduce_sum3A_48 [1, 2] : vector<1x128x16xf32> to vector<1xf32>
    %reduce_sum3A_50 = vector.shape_cast %reduce_sum3A_49 : vector<1xf32> to vector<1x1x1xf32>
    %reduce_sum3A_51 = vector.extract %reduce_sum3A_50[0, 0, 0] : f32 from vector<1x1x1xf32>
    %mul3A_52 = arith.constant 5.000000e-01 : f32
    %mul3A_53 = arith.mulf %mul3A_52, %reduce_sum3A_51 : f32
    %jit3A = arith.constant 0.000000e+00 : f32
    %select_n3A = arith.select %eq3A_39, %mul3A_53, %jit3A : f32
    %iota3A = tpu.iota {dimensions = array<i32: 0>} : vector<8x128xi32>
    %iota3A_54 = tpu.iota {dimensions = array<i32: 1>} : vector<8x128xi32>
    %eq3A_55 = arith.constant 0 : i32
    %eq3A_56 = vector.broadcast %eq3A_55 : i32 to vector<8x128xi32>
    %eq3A_57 = arith.cmpi eq, %iota3A_54, %eq3A_56 : vector<8x128xi32>
    %eq3A_58 = arith.constant 1 : i32
    %eq3A_59 = vector.broadcast %eq3A_58 : i32 to vector<8x128xi32>
    %eq3A_60 = arith.cmpi eq, %iota3A_54, %eq3A_59 : vector<8x128xi32>
    %eq3A_61 = arith.constant 2 : i32
    %eq3A_62 = vector.broadcast %eq3A_61 : i32 to vector<8x128xi32>
    %eq3A_63 = arith.cmpi eq, %iota3A_54, %eq3A_62 : vector<8x128xi32>
    %jit3A_64 = arith.constant 0.000000e+00 : f32
    %broadcast_in_dim3A = vector.broadcast %select_n3A : f32 to vector<8x128xf32>
    %broadcast_in_dim3A_65 = vector.broadcast %jit3A_64 : f32 to vector<8x128xf32>
    %select_n3A_66 = arith.select %eq3A_63, %broadcast_in_dim3A, %broadcast_in_dim3A_65 : vector<8x128xi1>, vector<8x128xf32>
    %broadcast_in_dim3A_67 = vector.broadcast %reduce_sum3A_37 : f32 to vector<8x128xf32>
    %select_n3A_68 = arith.select %eq3A_60, %broadcast_in_dim3A_67, %select_n3A_66 : vector<8x128xi1>, vector<8x128xf32>
    %broadcast_in_dim3A_69 = vector.broadcast %reduce_sum3A_32 : f32 to vector<8x128xf32>
    %select_n3A_70 = arith.select %eq3A_57, %broadcast_in_dim3A_69, %select_n3A_68 : vector<8x128xi1>, vector<8x128xf32>
    %get3A_71 = arith.constant 0 : index
    %get3A_72 = arith.constant 0 : index
    %get3A_73 = vector.load %arg8[%get3A_71, %get3A_72] : memref<8x128xf32, #tpu.memory_space<vmem>>, vector<8x128xf32>
    %eq3A_74 = arith.constant 0 : i32
    %eq3A_75 = vector.broadcast %eq3A_74 : i32 to vector<8x128xi32>
    %eq3A_76 = arith.cmpi eq, %iota3A, %eq3A_75 : vector<8x128xi32>
    %jit3A_77 = arith.constant 0.000000e+00 : f32
    %broadcast_in_dim3A_78 = vector.broadcast %jit3A_77 : f32 to vector<8x128xf32>
    %select_n3A_79 = arith.select %eq3A_76, %select_n3A_70, %broadcast_in_dim3A_78 : vector<8x128xi1>, vector<8x128xf32>
    %add3A_80 = arith.addf %get3A_73, %select_n3A_79 : vector<8x128xf32>
    %swap3A = arith.constant 0 : index
    %swap3A_81 = arith.constant 0 : index
    %swap3A_82 = vector.load %arg8[%swap3A, %swap3A_81] : memref<8x128xf32, #tpu.memory_space<vmem>>, vector<8x128xf32>
    tpu.vector_store %arg8[%swap3A, %swap3A_81], %add3A_80 {strides = array<i32>} : memref<8x128xf32, #tpu.memory_space<vmem>>, vector<8x128xf32>,
    return
  }
  func.func @transform_0(%arg0: i32) -> (i32, i32) {
    %c0_i32 = arith.constant 0 : i32
    %c0_i32_0 = arith.constant 0 : i32
    %c0_i32_1 = arith.constant 0 : i32
    return %c0_i32, %c0_i32_0 : i32, i32
  }
  func.func @transform_1(%arg0: i32) -> (i32, i32) {
    %c0_i32 = arith.constant 0 : i32
    %c0_i32_0 = arith.constant 0 : i32
    %c0_i32_1 = arith.constant 0 : i32
    return %c0_i32, %c0_i32_0 : i32, i32
  }
  func.func @transform_2(%arg0: i32) -> (i32, i32) {
    %c0_i32 = arith.constant 0 : i32
    %c0_i32_0 = arith.constant 0 : i32
    return %arg0, %c0_i32 : i32, i32
  }
  func.func @transform_3(%arg0: i32) -> (i32, i32) {
    %c0_i32 = arith.constant 0 : i32
    %c0_i32_0 = arith.constant 0 : i32
    return %arg0, %c0_i32 : i32, i32
  }
  func.func @transform_4(%arg0: i32) -> (i32, i32) {
    %c0_i32 = arith.constant 0 : i32
    %c0_i32_0 = arith.constant 0 : i32
    %c0_i32_1 = arith.constant 0 : i32
    return %c0_i32, %c0_i32_0 : i32, i32
  }
  func.func @transform_5(%arg0: i32) -> (i32, i32) {
    %c0_i32 = arith.constant 0 : i32
    %c0_i32_0 = arith.constant 0 : i32
    return %arg0, %c0_i32 : i32, i32
  }
  func.func @transform_6(%arg0: i32) -> (i32, i32) {
    %c0_i32 = arith.constant 0 : i32
    %c0_i32_0 = arith.constant 0 : i32
    %c0_i32_1 = arith.constant 0 : i32
    return %c0_i32, %c0_i32_0 : i32, i32
  }
  func.func @transform_7(%arg0: i32) -> (i32, i32) {
    %c0_i32 = arith.constant 0 : i32
    %c0_i32_0 = arith.constant 0 : i32
    %c0_i32_1 = arith.constant 0 : i32
    return %c0_i32, %c0_i32_0 : i32, i32
  }
}

module attributes {stable_mosaic.version = 14 : i64} {
  func.func @_corrtc_body(%arg0: i32, %arg1: memref<4096x128xf32, #tpu.memory_space<vmem>>, %arg2: memref<4096x128xf32, #tpu.memory_space<vmem>>, %arg3: memref<4096x128xf32, #tpu.memory_space<vmem>>, %arg4: memref<4096x128xf32, #tpu.memory_space<vmem>>, %arg5: memref<8x128xf32, #tpu.memory_space<vmem>>) attributes {dimension_semantics = [#tpu.dimension_semantics<arbitrary>], iteration_bounds = array<i64: 5>, scalar_prefetch = 0 : i64, scratch_operands = 0 : i64, tpu.core_type = #tpu.core_type<tc>, window_params = [{transform_indices = @transform_0, window_bounds = array<i64: 4096, 128>}, {transform_indices = @transform_1, window_bounds = array<i64: 4096, 128>}, {transform_indices = @transform_2, window_bounds = array<i64: 4096, 128>}, {transform_indices = @transform_3, window_bounds = array<i64: 4096, 128>}, {pipeline_mode = #tpu.pipeline_mode<synchronous>, transform_indices = @transform_4, window_bounds = array<i64: 8, 128>}]} {
    %eq3A = arith.constant 0 : i32
    %eq3A_0 = arith.cmpi eq, %arg0, %eq3A : i32
    %convert_element_type3A = arith.extui %eq3A_0 : i1 to i32
    %cond3A = arith.constant 0 : i32
    %cond3A_1 = arith.cmpi ne, %convert_element_type3A, %cond3A : i32
    scf.if %cond3A_1 {
      %broadcast_in_dim3A_66 = arith.constant 0.000000e+00 : f32
      %broadcast_in_dim3A_67 = vector.broadcast %broadcast_in_dim3A_66 : f32 to vector<8x128xf32>
      %swap3A_68 = arith.constant 0 : index
      %swap3A_69 = arith.constant 0 : index
      %swap3A_70 = vector.load %arg5[%swap3A_68, %swap3A_69] : memref<8x128xf32, #tpu.memory_space<vmem>>, vector<8x128xf32>
      tpu.vector_store %arg5[%swap3A_68, %swap3A_69], %broadcast_in_dim3A_67 {strides = array<i32>} : memref<8x128xf32, #tpu.memory_space<vmem>>, vector<8x128xf32>,
    } else {
    }
    %iota3A = tpu.iota {dimensions = array<i32: 0>} : vector<128x8xi32>
    %jit3A = arith.constant 16 : i32
    %div3A = vector.broadcast %jit3A : i32 to vector<128x8xi32>
    %div3A_2 = arith.divsi %iota3A, %div3A : vector<128x8xi32>
    %sign3A = arith.constant 0 : i32
    %sign3A_3 = vector.broadcast %sign3A : i32 to vector<128x8xi32>
    %sign3A_4 = arith.cmpi sgt, %iota3A, %sign3A_3 : vector<128x8xi32>
    %sign3A_5 = arith.extui %sign3A_4 : vector<128x8xi1> to vector<128x8xi32>
    %sign3A_6 = arith.constant 0 : i32
    %sign3A_7 = vector.broadcast %sign3A_6 : i32 to vector<128x8xi32>
    %sign3A_8 = arith.cmpi slt, %iota3A, %sign3A_7 : vector<128x8xi32>
    %sign3A_9 = arith.extui %sign3A_8 : vector<128x8xi1> to vector<128x8xi32>
    %sign3A_10 = arith.subi %sign3A_5, %sign3A_9 : vector<128x8xi32>
    %sign3A_11 = arith.constant 0 : i32
    %sign3A_12 = arith.cmpi sgt, %jit3A, %sign3A_11 : i32
    %sign3A_13 = arith.extui %sign3A_12 : i1 to i32
    %sign3A_14 = arith.constant 0 : i32
    %sign3A_15 = arith.cmpi slt, %jit3A, %sign3A_14 : i32
    %sign3A_16 = arith.extui %sign3A_15 : i1 to i32
    %sign3A_17 = arith.subi %sign3A_13, %sign3A_16 : i32
    %ne3A = vector.broadcast %sign3A_17 : i32 to vector<128x8xi32>
    %ne3A_18 = arith.cmpi ne, %sign3A_10, %ne3A : vector<128x8xi32>
    %rem3A = vector.broadcast %jit3A : i32 to vector<128x8xi32>
    %rem3A_19 = arith.remsi %iota3A, %rem3A : vector<128x8xi32>
    %ne3A_20 = arith.constant 0 : i32
    %ne3A_21 = vector.broadcast %ne3A_20 : i32 to vector<128x8xi32>
    %ne3A_22 = arith.cmpi ne, %rem3A_19, %ne3A_21 : vector<128x8xi32>
    %and3A = arith.andi %ne3A_18, %ne3A_22 : vector<128x8xi1>
    %sub3A = arith.constant 1 : i32
    %sub3A_23 = vector.broadcast %sub3A : i32 to vector<128x8xi32>
    %sub3A_24 = arith.subi %div3A_2, %sub3A_23 : vector<128x8xi32>
    %select_n3A = arith.select %and3A, %sub3A_24, %div3A_2 : vector<128x8xi1>, vector<128x8xi32>
    %iota3A_25 = tpu.iota {dimensions = array<i32: 1>} : vector<128x8xi32>
    %eq3A_26 = arith.cmpi eq, %select_n3A, %iota3A_25 : vector<128x8xi32>
    %convert_element_type3A_27 = arith.extui %eq3A_26 : vector<128x8xi1> to vector<128x8xi32>
    %convert_element_type3A_28 = arith.sitofp %convert_element_type3A_27 : vector<128x8xi32> to vector<128x8xf32>
    %get3A = arith.constant 0 : index
    %get3A_29 = arith.constant 0 : index
    %get3A_30 = vector.load %arg1[%get3A, %get3A_29] : memref<4096x128xf32, #tpu.memory_space<vmem>>, vector<4096x128xf32>
    %get3A_31 = arith.constant 0 : index
    %get3A_32 = arith.constant 0 : index
    %get3A_33 = vector.load %arg2[%get3A_31, %get3A_32] : memref<4096x128xf32, #tpu.memory_space<vmem>>, vector<4096x128xf32>
    %mul3A = arith.mulf %get3A_30, %get3A_33 : vector<4096x128xf32>
    %dot_general3A = arith.constant dense<0.000000e+00> : vector<4096x8xf32>
    %dot_general3A_34 = tpu.matmul %mul3A, %convert_element_type3A_28, %dot_general3A {dimension_numbers = #tpu.dot_dimension_numbers<[1], [0], [0], [1], [0, 0, 1, 1], [], []>, transpose_lhs_hint = false} : vector<4096x128xf32>, vector<128x8xf32>, vector<4096x8xf32> -> vector<4096x8xf32>
    %get3A_35 = arith.constant 0 : index
    %get3A_36 = arith.constant 0 : index
    %get3A_37 = vector.load %arg3[%get3A_35, %get3A_36] : memref<4096x128xf32, #tpu.memory_space<vmem>>, vector<4096x128xf32>
    %get3A_38 = arith.constant 0 : index
    %get3A_39 = arith.constant 0 : index
    %get3A_40 = vector.load %arg4[%get3A_38, %get3A_39] : memref<4096x128xf32, #tpu.memory_space<vmem>>, vector<4096x128xf32>
    %mul3A_41 = arith.mulf %get3A_37, %get3A_40 : vector<4096x128xf32>
    %dot_general3A_42 = arith.constant dense<0.000000e+00> : vector<4096x8xf32>
    %dot_general3A_43 = tpu.matmul %mul3A_41, %convert_element_type3A_28, %dot_general3A_42 {dimension_numbers = #tpu.dot_dimension_numbers<[1], [0], [0], [1], [0, 0, 1, 1], [], []>, transpose_lhs_hint = false} : vector<4096x128xf32>, vector<128x8xf32>, vector<4096x8xf32> -> vector<4096x8xf32>
    %mul3A_44 = arith.mulf %dot_general3A_34, %dot_general3A_43 : vector<4096x8xf32>
    %reduce_sum3A = vector.shape_cast %mul3A_44 : vector<4096x8xf32> to vector<1x4096x8xf32>
    %reduce_sum3A_45 = arith.constant dense<0.000000e+00> : vector<1xf32>
    %reduce_sum3A_46 = vector.multi_reduction <add>, %reduce_sum3A, %reduce_sum3A_45 [1, 2] : vector<1x4096x8xf32> to vector<1xf32>
    %reduce_sum3A_47 = vector.shape_cast %reduce_sum3A_46 : vector<1xf32> to vector<1x1x1xf32>
    %reduce_sum3A_48 = vector.extract %reduce_sum3A_47[0, 0, 0] : f32 from vector<1x1x1xf32>
    %iota3A_49 = tpu.iota {dimensions = array<i32: 0>} : vector<8x128xi32>
    %iota3A_50 = tpu.iota {dimensions = array<i32: 1>} : vector<8x128xi32>
    %get3A_51 = arith.constant 0 : index
    %get3A_52 = arith.constant 0 : index
    %get3A_53 = vector.load %arg5[%get3A_51, %get3A_52] : memref<8x128xf32, #tpu.memory_space<vmem>>, vector<8x128xf32>
    %eq3A_54 = arith.constant 0 : i32
    %eq3A_55 = vector.broadcast %eq3A_54 : i32 to vector<8x128xi32>
    %eq3A_56 = arith.cmpi eq, %iota3A_49, %eq3A_55 : vector<8x128xi32>
    %eq3A_57 = arith.constant 0 : i32
    %eq3A_58 = vector.broadcast %eq3A_57 : i32 to vector<8x128xi32>
    %eq3A_59 = arith.cmpi eq, %iota3A_50, %eq3A_58 : vector<8x128xi32>
    %and3A_60 = arith.andi %eq3A_56, %eq3A_59 : vector<8x128xi1>
    %jit3A_61 = arith.constant 0.000000e+00 : f32
    %broadcast_in_dim3A = vector.broadcast %reduce_sum3A_48 : f32 to vector<8x128xf32>
    %broadcast_in_dim3A_62 = vector.broadcast %jit3A_61 : f32 to vector<8x128xf32>
    %select_n3A_63 = arith.select %and3A_60, %broadcast_in_dim3A, %broadcast_in_dim3A_62 : vector<8x128xi1>, vector<8x128xf32>
    %add3A = arith.addf %get3A_53, %select_n3A_63 : vector<8x128xf32>
    %swap3A = arith.constant 0 : index
    %swap3A_64 = arith.constant 0 : index
    %swap3A_65 = vector.load %arg5[%swap3A, %swap3A_64] : memref<8x128xf32, #tpu.memory_space<vmem>>, vector<8x128xf32>
    tpu.vector_store %arg5[%swap3A, %swap3A_64], %add3A {strides = array<i32>} : memref<8x128xf32, #tpu.memory_space<vmem>>, vector<8x128xf32>,
    return
  }
  func.func @transform_0(%arg0: i32) -> (i32, i32) {
    %c0_i32 = arith.constant 0 : i32
    %c0_i32_0 = arith.constant 0 : i32
    return %arg0, %c0_i32 : i32, i32
  }
  func.func @transform_1(%arg0: i32) -> (i32, i32) {
    %c0_i32 = arith.constant 0 : i32
    %c0_i32_0 = arith.constant 0 : i32
    return %arg0, %c0_i32 : i32, i32
  }
  func.func @transform_2(%arg0: i32) -> (i32, i32) {
    %c0_i32 = arith.constant 0 : i32
    %c0_i32_0 = arith.constant 0 : i32
    return %arg0, %c0_i32 : i32, i32
  }
  func.func @transform_3(%arg0: i32) -> (i32, i32) {
    %c0_i32 = arith.constant 0 : i32
    %c0_i32_0 = arith.constant 0 : i32
    return %arg0, %c0_i32 : i32, i32
  }
  func.func @transform_4(%arg0: i32) -> (i32, i32) {
    %c0_i32 = arith.constant 0 : i32
    %c0_i32_0 = arith.constant 0 : i32
    %c0_i32_1 = arith.constant 0 : i32
    return %c0_i32, %c0_i32_0 : i32, i32
  }
}

</mosaic_0001>

<sc_bundles>
// kernel: kernel.10.cloned.1.call-start
scs
__scs_entry_jumppad:
0x0: {  	(pc) =	sbr.rel $0x88, $3  }
0x1: {  	(tag) =	ssettag $0x0;
	lr =	simm.s32 $0x1  }
0x2: {  	[smem:$0x3F9D] =	sst lr;
	_ =	strace $0xD0000000  }
0x3: {  	_ = 	snop  }
0x4: {  	_ = 	snop  }
0x5: {  	_ = 	snop  }
0x6: {  	_ = 	snop  }
0x7: {  	_ = 	snop  }
__scs_overlays_trampoline_lowered:
0x8: {  	[smem:$0x3FAC] =	sst s0  }
0x9: {  	[smem:$0x3FAD] =	sst s1  }
0xa: {  	[smem:$0x3FAE] =	sst s2  }
0xb: {  	[smem:$0x3FAF] =	sst s3  }
0xc: {  	[smem:$0x3FB0] =	sst s4  }
0xd: {  	[smem:$0x3FB1] =	sst s5  }
0xe: {  	[smem:$0x3FB2] =	sst s6  }
0xf: {  	[smem:$0x3FB3] =	sst s7  }
0x10: {  	[smem:$0x3FB4] =	sst s8  }
0x11: {  	[smem:$0x3FB5] =	sst s9;
	s0 =	simm.s32 @!p0 $0x0  }
0x12: {  	s1 =	sld [smem:$0x3F9B];
	s0 =	simm.s32 @p0 $0x1  }
0x13: {  	[smem:$0x3FB6] =	sst s0;
	s0 =	simm.s32 @!p1 $0x0  }
0x14: {  	s2 =	sld [smem:$0x3F9A];
	s0 =	simm.s32 @p1 $0x1  }
0x15: {  	[smem:$0x3FB7] =	sst s0;
	s0 =	simm.s32 @!p2 $0x0  }
0x16: {  	s3 =	sld [smem:$0x3FDB];
	s0 =	simm.s32 @p2 $0x1  }
0x17: {  	s4 =	simm.s32 $0x1BF5;
	[smem:$0x3FB9] =	sst s0  }
0x18: {  	s0 =	sld [smem:$0x3F9C];
	_ =	swait.ge [sflag:s4], $0x0  }
0x19: {  	s7 =	sld [smem:$0x3F9D]  }
0x1a: {  	s8 =	sadd.s32 $0xFFFFE003, lr  }
0x1b: {  	s9 =	sadd.s32 $0xFFFFFEF7, lr;
	s5 =	simm.s32 $0xFFFFFFFF;
	p2 =	slt.u32 s8, $0xFFFFF086  }
0x1c: {  	p1 =	slt.u32 s9, $0xF7A;
	s5 =	simm.s32 @!p2 $0x0  }
0x1d: {  	s5 =	simm.s32 @p1 $0x1;
	p0 =	seq.s32 s7, s2  }
0x1e: {  	s7 =	smul.u32 @!p0 $0xF7A, s2;
	p2 =	seq.s32 @!p0 s5, $0x0  }
0x1f: {  	s9 =	smul.u32 $0xF7A, s1;
	s8 =	simm.s32 @!p0 $0x1BF5;
	p2 =	por !p2, p0  }
0x20: {  	[sflag:s8] =	ssyncset.s32 @!p0 $0xFFFFF086;
	s6 =	sadd.s32 @!p0 s3, s7;
	s7 =	simm.s32 @!p0 $0x108  }
0x21: {  	s3 =	sadd.s32 s3, s9;
	s6 =	sadd.s32 @!p0 $0x88, s6;
	s7 =	simm.s32 @p2 $0x1082  }
0x22: {  	[simem:s7], [sflag:s8] =	dma.local @!p0 [hbm:s6], $0xF7A  }
0x23: {  	s9 =	sor.u32 $0xD0000000, s2;
	s6 =	simm.s32 $0x108;
	_ =	swait.ge @!p0 [sflag:s8], $0x0  }
0x24: {  	s3 =	sadd.s32 $0x88, s3;
	s6 =	simm.s32 @!p1 $0x1082;
	[sflag:s4] =	ssyncset.s32 $0xFFFFF086  }
0x25: {  	[simem:s6], [sflag:s4] =	dma.local [hbm:s3], $0xF7A  }
0x26: {  	[smem:$0x3F9D] =	sst s1;
	(tag) =	ssettag s2;
	_ =	strace s9  }
0x27: {  	s1 =	sld [smem:$0x3FAD]  }
0x28: {  	s2 =	sld [smem:$0x3FAE]  }
0x29: {  	s4 =	sld [smem:$0x3FB0]  }
0x2a: {  	p0 =	seq.s32 s5, $0x0;
	s5 =	sld [smem:$0x3FB1]  }
0x2b: {  	s6 =	sld [smem:$0x3FB2]  }
0x2c: {  	s7 =	sld [smem:$0x3FB3]  }
0x2d: {  	s3 =	simm.s32 $0x108;
	s8 =	sld [smem:$0x3FB4]  }
0x2e: {  	s3 =	simm.s32 @!p0 $0x1082;
	s9 =	sld [smem:$0x3FB5]  }
0x2f: {  	lr =	sadd.s32 s0, s3;
	s0 =	sld [smem:$0x3FAC]  }
0x30: {  	s3 =	sld [smem:$0x3FAF]  }
0x31: {  	[smem:$0x3FB8] =	sst s10  }
0x32: {  	s10 =	sld [smem:$0x3FB6];
	_ =	sdelay $0x3  }
0x33: {  	p0 =	seq.s32 s10, $0x1;
	s10 =	sld [smem:$0x3FB8];
	_ =	sdelay $0x3  }
0x34: {  	[smem:$0x3FB8] =	sst s10  }
0x35: {  	s10 =	sld [smem:$0x3FB7];
	_ =	sdelay $0x3  }
0x36: {  	p1 =	seq.s32 s10, $0x1;
	s10 =	sld [smem:$0x3FB8];
	_ =	sdelay $0x3  }
0x37: {  	[smem:$0x3FB8] =	sst s10  }
0x38: {  	s10 =	sld [smem:$0x3FB9]  }
0x39: {  	_ = 	snop;
	(pc) =	sbr.ind lr, $3  }
0x3a: {  	_ = 	snop  }
0x3b: {  	_ = 	snop  }
0x3c: {  	p2 =	seq.s32 s10, $0x1;
	s10 =	sld [smem:$0x3FB8]  }
0x3d: {  	_ =	shalt  }
0x3e: {  	_ =	shalt  }
0x3f: {  	_ =	shalt  }
0x40: {  	_ =	shalt  }
0x41: {  	_ =	shalt  }
0x42: {  	_ =	shalt  }
0x43: {  	_ =	shalt  }
0x44: {  	_ =	shalt  }
0x45: {  	_ =	shalt  }
0x46: {  	_ =	shalt  }
0x47: {  	_ =	shalt  }
0x48: {  	_ =	shalt  }
0x49: {  	_ =	shalt  }
0x4a: {  	_ =	shalt  }
0x4b: {  	_ =	shalt  }
0x4c: {  	_ =	shalt  }
0x4d: {  	_ =	shalt  }
0x4e: {  	_ =	shalt  }
0x4f: {  	_ =	shalt  }
0x50: {  	_ =	shalt  }
0x51: {  	_ =	shalt  }
0x52: {  	_ =	shalt  }
0x53: {  	_ =	shalt  }
0x54: {  	_ =	shalt  }
0x55: {  	_ =	shalt  }
0x56: {  	_ =	shalt  }
0x57: {  	_ =	shalt  }
0x58: {  	_ =	shalt  }
0x59: {  	_ =	shalt  }
0x5a: {  	_ =	shalt  }
0x5b: {  	_ =	shalt  }
0x5c: {  	_ =	shalt  }
0x5d: {  	_ =	shalt  }
0x5e: {  	_ =	shalt  }
0x5f: {  	_ =	shalt  }
0x60: {  	_ =	shalt  }
0x61: {  	_ =	shalt  }
0x62: {  	_ =	shalt  }
0x63: {  	_ =	shalt  }
0x64: {  	_ =	shalt  }
0x65: {  	_ =	shalt  }
0x66: {  	_ =	shalt  }
0x67: {  	_ =	shalt  }
0x68: {  	_ =	shalt  }
0x69: {  	_ =	shalt  }
0x6a: {  	_ =	shalt  }
0x6b: {  	_ =	shalt  }
0x6c: {  	_ =	shalt  }
0x6d: {  	_ =	shalt  }
0x6e: {  	_ =	shalt  }
0x6f: {  	_ =	shalt  }
0x70: {  	_ =	shalt  }
0x71: {  	_ =	shalt  }
0x72: {  	_ =	shalt  }
0x73: {  	_ =	shalt  }
0x74: {  	_ =	shalt  }
0x75: {  	_ =	shalt  }
0x76: {  	_ =	shalt  }
0x77: {  	_ =	shalt  }
0x78: {  	_ =	shalt  }
0x79: {  	_ =	shalt  }
0x7a: {  	_ =	shalt  }
0x7b: {  	_ =	shalt  }
0x7c: {  	_ =	shalt  }
0x7d: {  	_ =	shalt  }
0x7e: {  	_ =	shalt  }
0x7f: {  	_ =	shalt  }
0x80: {  	_ =	shalt  }
0x81: {  	_ =	shalt  }
0x82: {  	_ =	shalt  }
0x83: {  	_ =	shalt  }
0x84: {  	_ =	shalt  }
0x85: {  	_ =	shalt  }
0x86: {  	_ =	shalt  }
0x87: {  	_ =	shalt  }
.Lfunc_end0:
.L_simem_size_0:
called_computation.1_lowered:
.L_overlay_start_0:
0x88: {  	s2 =	sld [smem:$0x3FD9]  }
0x89: {  	s3 =	sld [smem:$0x3FFE];
	_ =	sdelay $0x1  }
0x8a: {  	s1 =	srdreg.scid  }
0x8b: {  	s0 =	sand.u32 $0x1, s1  }
0x8c: {  	s17 =	sshll.u32 s0, $0xA;
	s2 =	sadd.s32 s3, s2  }
0x8d: {  	s2 =	sadd.s32 s2, s17  }
0x8e: {  	[smem:$0x3FC4] =	sst s2  }
0x8f: {  	_ = 	snop  }
0x90: {  	s2 =	sld [smem:$0x3FC8];
	(tm) =	ssettm $0x1  }
0x91: {  	s18 =	sld [smem:$0x3FFB];
	_ =	sdelay $0x3  }
0x92: {  	_ =	strace s18  }
0x93: {  	s3 =	sld [smem:$0x3FFC];
	_ =	sdelay $0x3  }
0x94: {  	_ =	strace s3  }
0x95: {  	s3 =	sld [smem:$0x3FFD];
	_ =	sdelay $0x3  }
0x96: {  	_ =	strace s3  }
0x97: {  	_ =	strace $0x8FFFFFFF  }
0x98: {  	s19 =	sld [smem:$0x3FDB];
	_ =	sdelay $0x1  }
0x99: {  	s4 =	simm.s32 $_scs_section_size  }
0x9a: {  	s5 =	simm.s32 $_size__tile_overlayer_lowered;
	s6 =	simm.s32 $_tile_overlayer_lowered  }
0x9b: {  	s22 =	simm.s32 $0x1BFF;
	s21 =	sshll.u32 s6, $0x1;
	s3 =	sadd.s32 s4, s19  }
0x9c: {  	s7 =	simm.s32 $0x0;
	s20 =	sshll.u32 s5, $0x1;
	s5 =	sadd.s32 s21, s3  }
0x9d: {  	[timem:s7], [sflag:s22] =	dma.local [hbm:s5], s20  }
0x9e: {  	_ =	swait.ge [sflag:s22], s20  }
0x9f: {  	s4 =	ssub.s32 $0x0, s20;
	[sflag:s22] =	ssyncset.done $0x0  }
0xa0: {  	[sflag:s22] =	ssyncadd.s32 s4;
	_ =	sdelay $0x1  }
0xa1: {  	s23 =	simm.s32 $0x1B8B  }
0xa2: {  	_ =	swait.ge [sflag:s23], $0x1  }
0xa3: {  	[sflag:s23] =	ssyncset.done $0x0  }
0xa4: {  	s25 =	simm.s32 $0x1B8E;
	s24 =	sld [smem:$0x3FFE];
	[sflag:s23] =	ssyncadd.s32 $0xFFFFFFFF  }
0xa5: {  	s26 =	simm.s32 $execute0_lowered;
	[smem:$0x3FD2] =	sst s25  }
0xa6: {  	s5 =	sshll.u32 s26, $0x1;
	_ =	strace $0x80000049;
	[dreg:$0x1] =	wrdreg $0xFFFFFFFF  }
0xa7: {  	s28 =	simm.s32 $_size_execute0_lowered;
	s3 =	sadd.s32 s3, s5;
	[dreg:$0x0] =	wrdreg $0x0  }
0xa8: {  	s5 =	sshll.u32 s28, $0x1;
	[dreg:$0x2] =	wrdreg s3  }
0xa9: {  	[dreg:$0x3] =	wrdreg s5  }
0xaa: {  	[dreg:$0x4] =	wrdreg $0xC0  }
0xab: {  	_ =	task [dreg:s7], $0x5FFFF  }
0xac: {  	[dreg:$0x1] =	wrdreg $0xFFFFFFFF  }
0xad: {  	[dreg:$0x0] =	wrdreg $0x60  }
0xae: {  	[dreg:$0x2] =	wrdreg s24  }
0xaf: {  	[dreg:$0x3] =	wrdreg s2  }
0xb0: {  	[dreg:$0x4] =	wrdreg $0x9  }
0xb1: {  	_ =	task.clear_ibuf [dreg:s7], $0x5FFFF;
	_ =	strace $0x90000049  }
0xb2: {  	s29 =	simm.s32 $0x9;
	_ =	strace $0x8000004B  }
0xb3: {  	_ =	swait.ge [sflag:s29], $0x1  }
0xb4: {  	[sflag:s29] =	ssyncadd.s32 $0xFFFFFFFF  }
0xb5: {  	_ =	strace $0x9000004B  }
0xb6: {  	_ =	sfence  }
0xb7: {  	s30 =	sld [smem:$0x0];
	_ =	sdelay $0x2  }
0xb8: {  	s31 =	sshll.u32 s1, $0xD;
	s1 =	sshrl.u32 s1, $0x2  }
0xb9: {  	s3 =	sand.u32 $0x4000, s31;
	s1 =	sadd.s32 s1, s30  }
0xba: {  	s0 =	sor.u32 s3, s0;
	s1 =	sshll.u32 s1, $0x11  }
0xbb: {  	s0 =	sor.u32 s1, s0  }
0xbc: {  	s0 =	sadd.s32 $0x8F2B, s0  }
0xbd: {  	[sflag:s0] =	ssyncadd.remote.s32 $0x1  }
0xbe: {  	_ =	sfence.sel $0xFFFF  }
0xbf: {  	[dreg:$0x0] =	wrdreg $0xFFFFFFFF;
	(pc) =	sbr.abs _section_cstart, $3  }
0xc0: {  	[dreg:$0x1] =	wrdreg $0xFFFFFFFF  }
0xc1: {  	_ =	task.clear_ibuf [dreg:s7], $0x2FFFF;
	_ =	strace $0x9FFFFFFF  }
0xc2: {  	(tm) =	ssettm $0x7FFFFFFF  }
0xc3: {  	_ =	shalt  }
tec
execute0_lowered:
.L_overlay_start_1:
0x0: {  	(tag) =	ssettag $0x1  }
0x1: {  	s5 =	rddreg [dreg:$0x0]  }
0x2: {  	s2 =	rddreg [dreg:$0x1]  }
0x3: {  	s0 =	rddreg [dreg:$0x2]  }
0x4: {  	s4 =	srdreg.scid;
	s1 =	stileid.u32;
	s3 =	simm.s32 $0x0  }
0x5: {  	s12 =	simm.s32 $0x4;
	s13 =	simm.s32 $0x1400;
	s14 =	simm.s32 $0x2800  }
0x6: {  	s15 =	simm.s32 $0x80;
	s16 =	simm.s32 $0x3C00;
	s17 =	simm.s32 $0x4400  }
0x7: {  	s18 =	simm.s32 $0x4C00;
	s19 =	simm.s32 $0x1;
	s20 =	simm.s32 $0x2  }
0x8: {  	s21 =	simm.s32 $0x3;
	s22 =	simm.s32 $0x0;
	s6 =	sand.u32 $0x1, s4  }
0x9: {  	s31 =	sshll.u32 s1, $0x1;
	[smem:$0x7FF] =	sst s3;
	s8 =	smul.u32 $0x5000, s1  }
0xa: {  	s4 =	sor.u32 s6, s31;
	s9 =	ssub.s32 $0x2, s6;
	s11 =	smul.u32 $0x2800, s6  }
0xb: {  	_ =	strace $0x8000004A;
	s7 =	smul.u32 $0x280, s4;
	s10 =	sshrl.u32 s9, $0x1  }
0xc: {  	s4 =	sadd.s32 $0x16600, s5;
	s8 =	sadd.s32 s8, s5;
	s9 =	ssub.s32 s9, s10  }
0xd: {  	s11 =	sadd.s32 s11, s8;
	s7 =	sadd.s32 s7, s5;
	s8 =	smax.u32 s9, $0x1  }
0xe: {  	s9 =	sadd.s32 $0xC0C00, s11;
	s10 =	sadd.s32 $0x70C00, s11;
	s11 =	sadd.s32 $0x20C00, s11  }
0xf: {  	s5 =	sadd.s32 $0x11400, s7;
	s6 =	sadd.s32 $0x1BC00, s7;
	s7 =	sadd.s32 $0xC38C00, s7  }
.LBB2_1:
0x10: {  	[tilespmem:s3], [sflag:$0x4] =	stream.linear.gather [hbm4b:s5+s3], $0x1400, $0x38;
	[tilespmem:$0x5400] =	vst v63  }
0x11: {  	_ =	swait.ge [sflag:s12], $0x1400  }
0x12: {  	[sflag:s12] =	ssyncset.done $0x0  }
0x13: {  	[sflag:s12] =	ssyncadd.s32 $0xFFFFEC00  }
0x14: {  	[tilespmem:s13], [sflag:$0x4] =	stream.linear.gather [hbm4b:s6+s3], $0x1400, $0x38;
	[tilespmem:$0x5400] =	vst v63  }
0x15: {  	_ =	swait.ge [sflag:s12], $0x1400  }
0x16: {  	[sflag:s12] =	ssyncset.done $0x0  }
0x17: {  	[sflag:s12] =	ssyncadd.s32 $0xFFFFEC00  }
0x18: {  	[tilespmem:s14], [sflag:$0x4] =	stream.linear.gather [hbm4b:s7+s3], $0x1400, $0x38;
	[tilespmem:$0x5400] =	vst v63  }
0x19: {  	_ =	swait.ge [sflag:s12], $0x1400  }
0x1a: {  	[sflag:s12] =	ssyncset.done $0x0  }
0x1b: {  	s23 =	simm.s32 $0x0;
	[sflag:s12] =	ssyncadd.s32 $0xFFFFEC00  }
0x1c: {  	[tilespmem:s16], [sflag:$0x1] =	stream.indirect.gather [hbm4b:s4+s15], $0x10, s23, s15, $0xb8;
	[tilespmem:$0x5400] =	vst v63  }
0x1d: {  	s30 =	simm.s32 $0x1400  }
0x1e: {  	[tilespmem:s17], [sflag:$0x2] =	stream.indirect.gather [hbm4b:s4+s15], $0x10, s30, s15, $0xb8;
	[tilespmem:$0x5400] =	vst v63  }
0x1f: {  	s31 =	simm.s32 $0x2800  }
0x20: {  	[tilespmem:s18], [sflag:$0x3] =	stream.indirect.gather [hbm4b:s2+s15], $0x10, s31, s15, $0xb8;
	[tilespmem:$0x5400] =	vst v63  }
0x21: {  	_ =	swait.ge [sflag:s19], $0x800  }
0x22: {  	[sflag:s19] =	ssyncset.done $0x0  }
0x23: {  	[sflag:s19] =	ssyncadd.s32 $0xFFFFF800  }
0x24: {  	[hbm4b:s11+s3] =	stream.linear.scatter [tilespmem:s16], [sflag:$0x4], $0x800, $0x38;
	[tilespmem:$0x5400] =	vst v63  }
0x25: {  	_ =	swait.ge [sflag:s12], $0x800  }
0x26: {  	[sflag:s12] =	ssyncset.done $0x0  }
0x27: {  	[sflag:s12] =	ssyncadd.s32 $0xFFFFF800  }
0x28: {  	_ =	swait.ge [sflag:s20], $0x800  }
0x29: {  	[sflag:s20] =	ssyncset.done $0x0  }
0x2a: {  	[sflag:s20] =	ssyncadd.s32 $0xFFFFF800  }
0x2b: {  	[hbm4b:s10+s3] =	stream.linear.scatter [tilespmem:s17], [sflag:$0x4], $0x800, $0x38;
	[tilespmem:$0x5400] =	vst v63  }
0x2c: {  	_ =	swait.ge [sflag:s12], $0x800  }
0x2d: {  	[sflag:s12] =	ssyncset.done $0x0  }
0x2e: {  	[sflag:s12] =	ssyncadd.s32 $0xFFFFF800  }
0x2f: {  	_ =	swait.ge [sflag:s21], $0x800  }
0x30: {  	[sflag:s21] =	ssyncset.done $0x0  }
0x31: {  	s26 =	simm.s32 $0x200;
	[sflag:s21] =	ssyncadd.s32 $0xFFFFF800  }
0x32: {  	[hbm4b:s9+s3] =	stream.linear.scatter [tilespmem:s18], [sflag:$0x4], $0x800, $0x38;
	[tilespmem:$0x5400] =	vst v63  }
0x33: {  	s28 =	simm.s32 $0x400;
	s25 =	sadd.s32 $0x100, s11;
	_ =	swait.ge [sflag:s12], $0x800  }
0x34: {  	s24 =	sadd.s32 $0x100, s10;
	s23 =	sadd.s32 $0x100, s9;
	[sflag:s12] =	ssyncset.done $0x0  }
.LBB2_2:
0x35: {  	s29 =	sshra.s32 s26, $0x2  }
0x36: {  	[sflag:s12] =	ssyncadd.s32 $0xFFFFF800;
	s26 =	smov.u32 s28;
	s30 =	sadd.s32 $0x200, s28  }
0x37: {  	[tilespmem:s16], [sflag:$0x1] =	stream.indirect.gather [hbm4b:s4+s15], $0x10, s29, s15, $0xb8;
	[tilespmem:$0x5400] =	vst v63  }
0x38: {  	p0 =	sne.s32 s28, $0x4E00;
	s28 =	sadd.s32 $0x1400, s29  }
0x39: {  	[tilespmem:s17], [sflag:$0x2] =	stream.indirect.gather [hbm4b:s4+s15], $0x10, s28, s15, $0xb8;
	[tilespmem:$0x5400] =	vst v63  }
0x3a: {  	s28 =	sadd.s32 $0x2800, s29  }
0x3b: {  	[tilespmem:s18], [sflag:$0x3] =	stream.indirect.gather [hbm4b:s2+s15], $0x10, s28, s15, $0xb8;
	[tilespmem:$0x5400] =	vst v63  }
0x3c: {  	_ =	swait.ge [sflag:s19], $0x800  }
0x3d: {  	[sflag:s19] =	ssyncset.done $0x0  }
0x3e: {  	[sflag:s19] =	ssyncadd.s32 $0xFFFFF800  }
0x3f: {  	[hbm4b:s25+s3] =	stream.linear.scatter [tilespmem:s16], [sflag:$0x4], $0x800, $0x38;
	[tilespmem:$0x5400] =	vst v63  }
0x40: {  	_ =	swait.ge [sflag:s12], $0x800  }
0x41: {  	[sflag:s12] =	ssyncset.done $0x0  }
0x42: {  	[sflag:s12] =	ssyncadd.s32 $0xFFFFF800  }
0x43: {  	_ =	swait.ge [sflag:s20], $0x800  }
0x44: {  	[sflag:s20] =	ssyncset.done $0x0  }
0x45: {  	[sflag:s20] =	ssyncadd.s32 $0xFFFFF800  }
0x46: {  	[hbm4b:s24+s3] =	stream.linear.scatter [tilespmem:s17], [sflag:$0x4], $0x800, $0x38;
	[tilespmem:$0x5400] =	vst v63  }
0x47: {  	_ =	swait.ge [sflag:s12], $0x800  }
0x48: {  	[sflag:s12] =	ssyncset.done $0x0  }
0x49: {  	[sflag:s12] =	ssyncadd.s32 $0xFFFFF800  }
0x4a: {  	_ =	swait.ge [sflag:s21], $0x800  }
.Ltmp0:
0x4b: {  	[sflag:s21] =	ssyncset.done $0x0;
	(pc) =	sbr.rel @p0 .LBB2_2-.Ltmp0, $4  }
0x4c: {  	[sflag:s21] =	ssyncadd.s32 $0xFFFFF800  }
0x4d: {  	[hbm4b:s23+s3] =	stream.linear.scatter [tilespmem:s18], [sflag:$0x4], $0x800, $0x38;
	[tilespmem:$0x5400] =	vst v63  }
0x4e: {  	s28 =	smov.u32 s30;
	s25 =	sadd.s32 $0x100, s25;
	_ =	swait.ge [sflag:s12], $0x800  }
0x4f: {  	s24 =	sadd.s32 $0x100, s24;
	s23 =	sadd.s32 $0x100, s23;
	[sflag:s12] =	ssyncset.done $0x0  }
0x50: {  	s26 =	sshra.s32 s26, $0x2;
	[sflag:s12] =	ssyncadd.s32 $0xFFFFF800  }
0x51: {  	[tilespmem:s16], [sflag:$0x1] =	stream.indirect.gather [hbm4b:s4+s15], $0x10, s26, s15, $0xb8;
	[tilespmem:$0x5400] =	vst v63  }
0x52: {  	s28 =	sadd.s32 $0x1400, s26  }
0x53: {  	[tilespmem:s17], [sflag:$0x2] =	stream.indirect.gather [hbm4b:s4+s15], $0x10, s28, s15, $0xb8;
	[tilespmem:$0x5400] =	vst v63  }
0x54: {  	s26 =	sadd.s32 $0x2800, s26  }
0x55: {  	[tilespmem:s18], [sflag:$0x3] =	stream.indirect.gather [hbm4b:s2+s15], $0x10, s26, s15, $0xb8;
	[tilespmem:$0x5400] =	vst v63  }
0x56: {  	_ =	swait.ge [sflag:s19], $0x800  }
0x57: {  	[sflag:s19] =	ssyncset.done $0x0  }
0x58: {  	[sflag:s19] =	ssyncadd.s32 $0xFFFFF800  }
0x59: {  	[hbm4b:s25+s3] =	stream.linear.scatter [tilespmem:s16], [sflag:$0x4], $0x800, $0x38;
	[tilespmem:$0x5400] =	vst v63  }
0x5a: {  	_ =	swait.ge [sflag:s12], $0x800  }
0x5b: {  	[sflag:s12] =	ssyncset.done $0x0  }
0x5c: {  	[sflag:s12] =	ssyncadd.s32 $0xFFFFF800  }
0x5d: {  	_ =	swait.ge [sflag:s20], $0x800  }
0x5e: {  	[sflag:s20] =	ssyncset.done $0x0  }
0x5f: {  	[sflag:s20] =	ssyncadd.s32 $0xFFFFF800  }
0x60: {  	[hbm4b:s24+s3] =	stream.linear.scatter [tilespmem:s17], [sflag:$0x4], $0x800, $0x38;
	[tilespmem:$0x5400] =	vst v63  }
0x61: {  	_ =	swait.ge [sflag:s12], $0x800  }
0x62: {  	[sflag:s12] =	ssyncset.done $0x0  }
0x63: {  	[sflag:s12] =	ssyncadd.s32 $0xFFFFF800  }
0x64: {  	s22 =	sadd.s32 $0x1, s22;
	_ =	swait.ge [sflag:s21], $0x800  }
0x65: {  	p0 =	sne.s32 s22, s8;
	[sflag:s21] =	ssyncset.done $0x0  }
.Ltmp1:
0x66: {  	[sflag:s21] =	ssyncadd.s32 $0xFFFFF800;
	(pc) =	sbr.rel @p0 .LBB2_1-.Ltmp1, $4  }
0x67: {  	[hbm4b:s23+s3] =	stream.linear.scatter [tilespmem:s18], [sflag:$0x4], $0x800, $0x38;
	[tilespmem:$0x5400] =	vst v63  }
0x68: {  	_ =	swait.ge [sflag:s12], $0x800  }
0x69: {  	[sflag:s12] =	ssyncset.done $0x0  }
0x6a: {  	[sflag:s12] =	ssyncadd.s32 $0xFFFFF800  }
0x6b: {  	_ =	sfence.sel $0x180000  }
0x6c: {  	[bflag:$0x0] =	sbarrier.arrive $0xFFFF  }
0x6d: {  	p0 =	sne.s32 s1, $0x0;
	_ =	strace $0x9000004A  }
0x6e: {  	s0 =	sadd.s32 @!p0 $0x100000, s0;
	[bflag:$0x2] =	sbarrier.arrive $0xFFFF  }
0x6f: {  	[sflag:s0] =	ssyncadd.tile.s32 @!p0 $0x1;
	_ =	shalt  }
.Lfunc_end2:
_tile_overlayer_lowered:
.L_overlay_start_2:
0x70: {  	(tag) =	ssettag $0x2  }
0x71: {  	s0 =	rddreg [dreg:$0x0];
	s2 =	stileid.u32  }
0x72: {  	s1 =	rddreg [dreg:$0x1];
	p0 =	sne.s32 s2, $0x0  }
0x73: {  	s3 =	rddreg [dreg:$0x2];
	[bflag:$0x3] =	sbarrier.arrive $0xFFFF;
	s2 =	simm.s32 @!p0 $0x1C04  }
0x74: {  	[timem:s3], [sflag:s2] =	dma.local @!p0 [hbm:s0], s1  }
0x75: {  	s0 =	simm.s32 @!p0 $0x4  }
0x76: {  	_ =	swait.ge @!p0 [sflag:s0], s1  }
0x77: {  	s1 =	ssub.s32 @!p0 $0x0, s1;
	[sflag:s0] =	ssyncset.done @!p0 $0x0  }
0x78: {  	[sflag:s0] =	ssyncadd.s32 @!p0 s1  }
0x79: {  	[bflag:$0x3] =	sbarrier.arrive $0xFFFF  }
0x7a: {  	_ =	shalt  }

// kernel: kernel.7.cloned.1.call-start
scs
__scs_entry_jumppad:
0x0: {  	(pc) =	sbr.rel $0x88, $3  }
0x1: {  	(tag) =	ssettag $0x0;
	lr =	simm.s32 $0x1  }
0x2: {  	[smem:$0x3F9D] =	sst lr;
	_ =	strace $0xD0000000  }
0x3: {  	_ = 	snop  }
0x4: {  	_ = 	snop  }
0x5: {  	_ = 	snop  }
0x6: {  	_ = 	snop  }
0x7: {  	_ = 	snop  }
__scs_overlays_trampoline_lowered:
0x8: {  	[smem:$0x3FAC] =	sst s0  }
0x9: {  	[smem:$0x3FAD] =	sst s1  }
0xa: {  	[smem:$0x3FAE] =	sst s2  }
0xb: {  	[smem:$0x3FAF] =	sst s3  }
0xc: {  	[smem:$0x3FB0] =	sst s4  }
0xd: {  	[smem:$0x3FB1] =	sst s5  }
0xe: {  	[smem:$0x3FB2] =	sst s6  }
0xf: {  	[smem:$0x3FB3] =	sst s7  }
0x10: {  	[smem:$0x3FB4] =	sst s8  }
0x11: {  	[smem:$0x3FB5] =	sst s9;
	s0 =	simm.s32 @!p0 $0x0  }
0x12: {  	s1 =	sld [smem:$0x3F9B];
	s0 =	simm.s32 @p0 $0x1  }
0x13: {  	[smem:$0x3FB6] =	sst s0;
	s0 =	simm.s32 @!p1 $0x0  }
0x14: {  	s2 =	sld [smem:$0x3F9A];
	s0 =	simm.s32 @p1 $0x1  }
0x15: {  	[smem:$0x3FB7] =	sst s0;
	s0 =	simm.s32 @!p2 $0x0  }
0x16: {  	s3 =	sld [smem:$0x3FDB];
	s0 =	simm.s32 @p2 $0x1  }
0x17: {  	s4 =	simm.s32 $0x1BF5;
	[smem:$0x3FB9] =	sst s0  }
0x18: {  	s0 =	sld [smem:$0x3F9C];
	_ =	swait.ge [sflag:s4], $0x0  }
0x19: {  	s7 =	sld [smem:$0x3F9D]  }
0x1a: {  	s8 =	sadd.s32 $0xFFFFE003, lr  }
0x1b: {  	s9 =	sadd.s32 $0xFFFFFEF7, lr;
	s5 =	simm.s32 $0xFFFFFFFF;
	p2 =	slt.u32 s8, $0xFFFFF086  }
0x1c: {  	p1 =	slt.u32 s9, $0xF7A;
	s5 =	simm.s32 @!p2 $0x0  }
0x1d: {  	s5 =	simm.s32 @p1 $0x1;
	p0 =	seq.s32 s7, s2  }
0x1e: {  	s7 =	smul.u32 @!p0 $0xF7A, s2;
	p2 =	seq.s32 @!p0 s5, $0x0  }
0x1f: {  	s9 =	smul.u32 $0xF7A, s1;
	s8 =	simm.s32 @!p0 $0x1BF5;
	p2 =	por !p2, p0  }
0x20: {  	[sflag:s8] =	ssyncset.s32 @!p0 $0xFFFFF086;
	s6 =	sadd.s32 @!p0 s3, s7;
	s7 =	simm.s32 @!p0 $0x108  }
0x21: {  	s3 =	sadd.s32 s3, s9;
	s6 =	sadd.s32 @!p0 $0x88, s6;
	s7 =	simm.s32 @p2 $0x1082  }
0x22: {  	[simem:s7], [sflag:s8] =	dma.local @!p0 [hbm:s6], $0xF7A  }
0x23: {  	s9 =	sor.u32 $0xD0000000, s2;
	s6 =	simm.s32 $0x108;
	_ =	swait.ge @!p0 [sflag:s8], $0x0  }
0x24: {  	s3 =	sadd.s32 $0x88, s3;
	s6 =	simm.s32 @!p1 $0x1082;
	[sflag:s4] =	ssyncset.s32 $0xFFFFF086  }
0x25: {  	[simem:s6], [sflag:s4] =	dma.local [hbm:s3], $0xF7A  }
0x26: {  	[smem:$0x3F9D] =	sst s1;
	(tag) =	ssettag s2;
	_ =	strace s9  }
0x27: {  	s1 =	sld [smem:$0x3FAD]  }
0x28: {  	s2 =	sld [smem:$0x3FAE]  }
0x29: {  	s4 =	sld [smem:$0x3FB0]  }
0x2a: {  	p0 =	seq.s32 s5, $0x0;
	s5 =	sld [smem:$0x3FB1]  }
0x2b: {  	s6 =	sld [smem:$0x3FB2]  }
0x2c: {  	s7 =	sld [smem:$0x3FB3]  }
0x2d: {  	s3 =	simm.s32 $0x108;
	s8 =	sld [smem:$0x3FB4]  }
0x2e: {  	s3 =	simm.s32 @!p0 $0x1082;
	s9 =	sld [smem:$0x3FB5]  }
0x2f: {  	lr =	sadd.s32 s0, s3;
	s0 =	sld [smem:$0x3FAC]  }
0x30: {  	s3 =	sld [smem:$0x3FAF]  }
0x31: {  	[smem:$0x3FB8] =	sst s10  }
0x32: {  	s10 =	sld [smem:$0x3FB6];
	_ =	sdelay $0x3  }
0x33: {  	p0 =	seq.s32 s10, $0x1;
	s10 =	sld [smem:$0x3FB8];
	_ =	sdelay $0x3  }
0x34: {  	[smem:$0x3FB8] =	sst s10  }
0x35: {  	s10 =	sld [smem:$0x3FB7];
	_ =	sdelay $0x3  }
0x36: {  	p1 =	seq.s32 s10, $0x1;
	s10 =	sld [smem:$0x3FB8];
	_ =	sdelay $0x3  }
0x37: {  	[smem:$0x3FB8] =	sst s10  }
0x38: {  	s10 =	sld [smem:$0x3FB9]  }
0x39: {  	_ = 	snop;
	(pc) =	sbr.ind lr, $3  }
0x3a: {  	_ = 	snop  }
0x3b: {  	_ = 	snop  }
0x3c: {  	p2 =	seq.s32 s10, $0x1;
	s10 =	sld [smem:$0x3FB8]  }
0x3d: {  	_ =	shalt  }
0x3e: {  	_ =	shalt  }
0x3f: {  	_ =	shalt  }
0x40: {  	_ =	shalt  }
0x41: {  	_ =	shalt  }
0x42: {  	_ =	shalt  }
0x43: {  	_ =	shalt  }
0x44: {  	_ =	shalt  }
0x45: {  	_ =	shalt  }
0x46: {  	_ =	shalt  }
0x47: {  	_ =	shalt  }
0x48: {  	_ =	shalt  }
0x49: {  	_ =	shalt  }
0x4a: {  	_ =	shalt  }
0x4b: {  	_ =	shalt  }
0x4c: {  	_ =	shalt  }
0x4d: {  	_ =	shalt  }
0x4e: {  	_ =	shalt  }
0x4f: {  	_ =	shalt  }
0x50: {  	_ =	shalt  }
0x51: {  	_ =	shalt  }
0x52: {  	_ =	shalt  }
0x53: {  	_ =	shalt  }
0x54: {  	_ =	shalt  }
0x55: {  	_ =	shalt  }
0x56: {  	_ =	shalt  }
0x57: {  	_ =	shalt  }
0x58: {  	_ =	shalt  }
0x59: {  	_ =	shalt  }
0x5a: {  	_ =	shalt  }
0x5b: {  	_ =	shalt  }
0x5c: {  	_ =	shalt  }
0x5d: {  	_ =	shalt  }
0x5e: {  	_ =	shalt  }
0x5f: {  	_ =	shalt  }
0x60: {  	_ =	shalt  }
0x61: {  	_ =	shalt  }
0x62: {  	_ =	shalt  }
0x63: {  	_ =	shalt  }
0x64: {  	_ =	shalt  }
0x65: {  	_ =	shalt  }
0x66: {  	_ =	shalt  }
0x67: {  	_ =	shalt  }
0x68: {  	_ =	shalt  }
0x69: {  	_ =	shalt  }
0x6a: {  	_ =	shalt  }
0x6b: {  	_ =	shalt  }
0x6c: {  	_ =	shalt  }
0x6d: {  	_ =	shalt  }
0x6e: {  	_ =	shalt  }
0x6f: {  	_ =	shalt  }
0x70: {  	_ =	shalt  }
0x71: {  	_ =	shalt  }
0x72: {  	_ =	shalt  }
0x73: {  	_ =	shalt  }
0x74: {  	_ =	shalt  }
0x75: {  	_ =	shalt  }
0x76: {  	_ =	shalt  }
0x77: {  	_ =	shalt  }
0x78: {  	_ =	shalt  }
0x79: {  	_ =	shalt  }
0x7a: {  	_ =	shalt  }
0x7b: {  	_ =	shalt  }
0x7c: {  	_ =	shalt  }
0x7d: {  	_ =	shalt  }
0x7e: {  	_ =	shalt  }
0x7f: {  	_ =	shalt  }
0x80: {  	_ =	shalt  }
0x81: {  	_ =	shalt  }
0x82: {  	_ =	shalt  }
0x83: {  	_ =	shalt  }
0x84: {  	_ =	shalt  }
0x85: {  	_ =	shalt  }
0x86: {  	_ =	shalt  }
0x87: {  	_ =	shalt  }
.Lfunc_end0:
.L_simem_size_0:
called_computation_lowered:
.L_overlay_start_0:
0x88: {  	s2 =	sld [smem:$0x3FD9]  }
0x89: {  	s3 =	sld [smem:$0x3FFE];
	_ =	sdelay $0x1  }
0x8a: {  	s1 =	srdreg.scid  }
0x8b: {  	s0 =	sand.u32 $0x1, s1  }
0x8c: {  	s16 =	sshll.u32 s0, $0xA;
	s2 =	sadd.s32 s3, s2  }
0x8d: {  	s2 =	sadd.s32 s2, s16  }
0x8e: {  	[smem:$0x3FC4] =	sst s2  }
0x8f: {  	_ = 	snop  }
0x90: {  	(tm) =	ssettm $0x1  }
0x91: {  	s17 =	sld [smem:$0x3FFB];
	_ =	sdelay $0x3  }
0x92: {  	_ =	strace s17  }
0x93: {  	s2 =	sld [smem:$0x3FFC];
	_ =	sdelay $0x3  }
0x94: {  	_ =	strace s2  }
0x95: {  	s2 =	sld [smem:$0x3FFD];
	_ =	sdelay $0x3  }
0x96: {  	_ =	strace s2  }
0x97: {  	_ =	strace $0x8FFFFFFF  }
0x98: {  	s18 =	sld [smem:$0x3FDB];
	_ =	sdelay $0x1  }
0x99: {  	s19 =	simm.s32 $_scs_section_size  }
0x9a: {  	s4 =	simm.s32 $_size__tile_overlayer_lowered;
	s5 =	simm.s32 $_tile_overlayer_lowered  }
0x9b: {  	s22 =	simm.s32 $0x1BFF;
	s21 =	sshll.u32 s5, $0x1;
	s2 =	sadd.s32 s19, s18  }
0x9c: {  	s6 =	simm.s32 $0x0;
	s20 =	sshll.u32 s4, $0x1;
	s4 =	sadd.s32 s21, s2  }
0x9d: {  	[timem:s6], [sflag:s22] =	dma.local [hbm:s4], s20  }
0x9e: {  	_ =	swait.ge [sflag:s22], s20  }
0x9f: {  	s3 =	ssub.s32 $0x0, s20;
	[sflag:s22] =	ssyncset.done $0x0  }
0xa0: {  	[sflag:s22] =	ssyncadd.s32 s3;
	_ =	sdelay $0x1  }
0xa1: {  	s23 =	simm.s32 $0x1B8B  }
0xa2: {  	_ =	swait.ge [sflag:s23], $0x1  }
0xa3: {  	[sflag:s23] =	ssyncset.done $0x0  }
0xa4: {  	s25 =	simm.s32 $0x1B8E;
	s24 =	sld [smem:$0x3FFE];
	[sflag:s23] =	ssyncadd.s32 $0xFFFFFFFF  }
0xa5: {  	s26 =	simm.s32 $execute0_lowered;
	[smem:$0x3FD2] =	sst s25  }
0xa6: {  	s4 =	sshll.u32 s26, $0x1;
	_ =	strace $0x80000046;
	[dreg:$0x1] =	wrdreg $0xFFFFFFFF  }
0xa7: {  	s28 =	simm.s32 $_size_execute0_lowered;
	s2 =	sadd.s32 s2, s4;
	[dreg:$0x0] =	wrdreg $0x0  }
0xa8: {  	s4 =	sshll.u32 s28, $0x1;
	[dreg:$0x2] =	wrdreg s2  }
0xa9: {  	[dreg:$0x3] =	wrdreg s4  }
0xaa: {  	[dreg:$0x4] =	wrdreg $0xC0  }
0xab: {  	_ =	task [dreg:s6], $0x5FFFF  }
0xac: {  	[dreg:$0x1] =	wrdreg $0xFFFFFFFF  }
0xad: {  	[dreg:$0x0] =	wrdreg $0x60  }
0xae: {  	[dreg:$0x2] =	wrdreg s24  }
0xaf: {  	[dreg:$0x3] =	wrdreg $0x58000  }
0xb0: {  	[dreg:$0x4] =	wrdreg $0x9  }
0xb1: {  	_ =	task.clear_ibuf [dreg:s6], $0x5FFFF;
	_ =	strace $0x90000046  }
0xb2: {  	s29 =	simm.s32 $0x9;
	_ =	strace $0x80000048  }
0xb3: {  	_ =	swait.ge [sflag:s29], $0x1  }
0xb4: {  	[sflag:s29] =	ssyncadd.s32 $0xFFFFFFFF  }
0xb5: {  	_ =	strace $0x90000048  }
0xb6: {  	_ =	sfence  }
0xb7: {  	s30 =	sld [smem:$0x0];
	_ =	sdelay $0x2  }
0xb8: {  	s31 =	sshll.u32 s1, $0xD;
	s1 =	sshrl.u32 s1, $0x2  }
0xb9: {  	s3 =	sand.u32 $0x4000, s31;
	s1 =	sadd.s32 s1, s30  }
0xba: {  	s0 =	sor.u32 s3, s0;
	s1 =	sshll.u32 s1, $0x11  }
0xbb: {  	s0 =	sor.u32 s1, s0  }
0xbc: {  	s0 =	sadd.s32 $0x8F2B, s0  }
0xbd: {  	[sflag:s0] =	ssyncadd.remote.s32 $0x1  }
0xbe: {  	_ =	sfence.sel $0xFFFF  }
0xbf: {  	[dreg:$0x0] =	wrdreg $0xFFFFFFFF;
	(pc) =	sbr.abs _section_cstart, $3  }
0xc0: {  	[dreg:$0x1] =	wrdreg $0xFFFFFFFF  }
0xc1: {  	_ =	task.clear_ibuf [dreg:s6], $0x2FFFF;
	_ =	strace $0x9FFFFFFF  }
0xc2: {  	(tm) =	ssettm $0x7FFFFFFF  }
0xc3: {  	_ =	shalt  }
tec
execute0_lowered:
.L_overlay_start_1:
0x0: {  	(tag) =	ssettag $0x1  }
0x1: {  	s5 =	rddreg [dreg:$0x0]  }
0x2: {  	s2 =	rddreg [dreg:$0x1]  }
0x3: {  	s0 =	rddreg [dreg:$0x2];
	s4 =	srdreg.scid  }
0x4: {  	s1 =	stileid.u32;
	s3 =	simm.s32 $0x0;
	s11 =	simm.s32 $0x2  }
0x5: {  	s12 =	simm.s32 $0x1400;
	s13 =	simm.s32 $0x80;
	s14 =	simm.s32 $0x2800  }
0x6: {  	s15 =	simm.s32 $0x1;
	s16 =	simm.s32 $0x0;
	s4 =	sand.u32 $0x1, s4  }
0x7: {  	s6 =	smul.u32 $0x2800, s1;
	[smem:$0x7FF] =	sst s3;
	s7 =	sshll.u32 s1, $0x1  }
0x8: {  	s8 =	smul.u32 $0x28000, s4;
	s7 =	sor.u32 s4, s7;
	s9 =	ssub.s32 $0x2, s4  }
0x9: {  	_ =	strace $0x80000047;
	s7 =	smul.u32 $0x280, s7;
	s10 =	sshrl.u32 s9, $0x1  }
0xa: {  	s4 =	sadd.s32 $0x16C00, s5;
	s8 =	sadd.s32 s6, s8;
	s9 =	ssub.s32 s9, s10  }
0xb: {  	s10 =	simm.s32 $0x3000;
	s8 =	sshrl.u32 s8, $0x3;
	s7 =	sadd.s32 s7, s5  }
0xc: {  	s9 =	smax.u32 s9, $0x1;
	s8 =	sadd.s32 s8, s5;
	s5 =	sadd.s32 s6, s2  }
0xd: {  	v0 =	vimm.f32 $0.0e+00;
	s6 =	sadd.s32 $0x1BC00, s7;
	s7 =	sadd.s32 $0xC400, s7;
	s8 =	sadd.s32 $0x20C00, s8  }
.LBB2_1:
0xe: {  	s17 =	simm.s32 $0x40;
	s18 =	simm.s32 $0x0  }
.LBB2_2:
0xf: {  	p0 =	sne.s32 s17, $0x9FC0;
	[tilespmem:s18+$0x3000] =	vst v0;
	s18 =	smov.u32 s17;
	s17 =	sadd.s32 $0x40, s17  }
.Ltmp0:
0x10: {  	(pc) =	sbr.rel @p0 .LBB2_2-.Ltmp0, $2  }
0x11: {  	_ =	sdelay $0x2  }
0x12: {  	s18 =	sshra.s32 s18, $0x2  }
0x13: {  	[tilespmem:s18+$0x3000] =	vst v0  }
0x14: {  	[spmem:s5] =	stream.linear.scatter [tilespmem:s10], [sflag:$0x2], $0x2800, $0x38;
	[tilespmem:$0x8000] =	vst v63  }
0x15: {  	_ =	swait.ge [sflag:s11], $0x2800  }
0x16: {  	[sflag:s11] =	ssyncset.done $0x0  }
0x17: {  	s17 =	simm.s32 $0x0;
	[sflag:s11] =	ssyncadd.s32 $0xFFFFD800  }
0x18: {  	[tilespmem:s17], [sflag:$0x2] =	stream.linear.gather [hbm4b:s6+s17], $0x1400, $0x38;
	[tilespmem:$0x8000] =	vst v63  }
0x19: {  	_ =	swait.ge [sflag:s11], $0x1400  }
0x1a: {  	[sflag:s11] =	ssyncset.done $0x0  }
0x1b: {  	[sflag:s11] =	ssyncadd.s32 $0xFFFFEC00  }
0x1c: {  	[tilespmem:s12], [sflag:$0x2] =	stream.linear.gather [hbm4b:s7+s17], $0x1400, $0x38;
	[tilespmem:$0x8000] =	vst v63  }
0x1d: {  	_ =	swait.ge [sflag:s11], $0x1400  }
0x1e: {  	[sflag:s11] =	ssyncset.done $0x0  }
0x1f: {  	[sflag:s11] =	ssyncadd.s32 $0xFFFFEC00  }
0x20: {  	s30 =	simm.s32 $0x0;
	[bflag:$0x0] =	sbarrier.arrive $0xFFFF  }
0x21: {  	[tilespmem:s14], [sflag:$0x1] =	stream.indirect.gather [hbm4b:s4+s13], $0x10, s30, s13, $0xb8;
	[tilespmem:$0x8000] =	vst v63  }
0x22: {  	_ =	swait.ge [sflag:s15], $0x800  }
0x23: {  	[sflag:s15] =	ssyncset.done $0x0  }
0x24: {  	s31 =	simm.s32 $0x1400;
	[sflag:s15] =	ssyncadd.s32 $0xFFFFF800  }
0x25: {  	[spmem:s2] =	stream.indirect.scatter.add.f32 [tilespmem:s14], [sflag:$0x2], $0x10, s31, s13, $0xb8;
	[tilespmem:$0x8000] =	vst v63  }
0x26: {  	_ =	swait.ge [sflag:s11], $0x800  }
0x27: {  	s18 =	simm.s32 $0x400;
	s17 =	simm.s32 $0x200;
	[sflag:s11] =	ssyncset.done $0x0  }
.LBB2_4:
0x28: {  	s19 =	sshra.s32 s17, $0x2  }
0x29: {  	[sflag:s11] =	ssyncadd.s32 $0xFFFFF800;
	s17 =	smov.u32 s18;
	s20 =	sadd.s32 $0x200, s18  }
0x2a: {  	[tilespmem:s14], [sflag:$0x1] =	stream.indirect.gather [hbm4b:s4+s13], $0x10, s19, s13, $0xb8;
	[tilespmem:$0x8000] =	vst v63  }
0x2b: {  	p0 =	sne.s32 s18, $0x4E00;
	_ =	swait.ge [sflag:s15], $0x800  }
.Ltmp1:
0x2c: {  	[sflag:s15] =	ssyncset.done $0x0;
	(pc) =	sbr.rel @p0 .LBB2_4-.Ltmp1, $4  }
0x2d: {  	s18 =	sadd.s32 $0x1400, s19;
	[sflag:s15] =	ssyncadd.s32 $0xFFFFF800  }
0x2e: {  	[spmem:s2] =	stream.indirect.scatter.add.f32 [tilespmem:s14], [sflag:$0x2], $0x10, s18, s13, $0xb8;
	[tilespmem:$0x8000] =	vst v63  }
0x2f: {  	_ =	swait.ge [sflag:s11], $0x800  }
0x30: {  	s18 =	smov.u32 s20;
	[sflag:s11] =	ssyncset.done $0x0  }
0x31: {  	s17 =	sshra.s32 s17, $0x2;
	[sflag:s11] =	ssyncadd.s32 $0xFFFFF800  }
0x32: {  	[tilespmem:s14], [sflag:$0x1] =	stream.indirect.gather [hbm4b:s4+s13], $0x10, s17, s13, $0xb8;
	[tilespmem:$0x8000] =	vst v63  }
0x33: {  	_ =	swait.ge [sflag:s15], $0x800  }
0x34: {  	[sflag:s15] =	ssyncset.done $0x0  }
0x35: {  	s17 =	sadd.s32 $0x1400, s17;
	[sflag:s15] =	ssyncadd.s32 $0xFFFFF800  }
0x36: {  	[spmem:s2] =	stream.indirect.scatter.add.f32 [tilespmem:s14], [sflag:$0x2], $0x10, s17, s13, $0xb8;
	[tilespmem:$0x8000] =	vst v63  }
0x37: {  	_ =	swait.ge [sflag:s11], $0x800  }
0x38: {  	[sflag:s11] =	ssyncset.done $0x0  }
0x39: {  	[sflag:s11] =	ssyncadd.s32 $0xFFFFF800  }
0x3a: {  	[bflag:$0x0] =	sbarrier.arrive $0xFFFF  }
0x3b: {  	[tilespmem:s10], [sflag:$0x2] =	stream.linear.gather [spmem:s5], $0x2800, $0x38;
	[tilespmem:$0x8000] =	vst v63  }
0x3c: {  	s16 =	sadd.s32 $0x1, s16;
	_ =	swait.ge [sflag:s11], $0x2800  }
0x3d: {  	p0 =	sne.s32 s16, s9;
	[sflag:s11] =	ssyncset.done $0x0  }
.Ltmp2:
0x3e: {  	[sflag:s11] =	ssyncadd.s32 $0xFFFFD800;
	(pc) =	sbr.rel @p0 .LBB2_1-.Ltmp2, $4  }
0x3f: {  	[hbm4b:s8+s3] =	stream.linear.scatter [tilespmem:s10], [sflag:$0x2], $0x2800, $0x38;
	[tilespmem:$0x8000] =	vst v63  }
0x40: {  	_ =	swait.ge [sflag:s11], $0x2800  }
0x41: {  	[sflag:s11] =	ssyncset.done $0x0  }
0x42: {  	[sflag:s11] =	ssyncadd.s32 $0xFFFFD800  }
0x43: {  	_ =	sfence.sel $0x180000  }
0x44: {  	[bflag:$0x0] =	sbarrier.arrive $0xFFFF  }
0x45: {  	p0 =	sne.s32 s1, $0x0;
	_ =	strace $0x90000047  }
0x46: {  	s0 =	sadd.s32 @!p0 $0x100000, s0;
	[bflag:$0x2] =	sbarrier.arrive $0xFFFF  }
0x47: {  	[sflag:s0] =	ssyncadd.tile.s32 @!p0 $0x1;
	_ =	shalt  }
.Lfunc_end2:
_tile_overlayer_lowered:
.L_overlay_start_2:
0x48: {  	(tag) =	ssettag $0x2  }
0x49: {  	s0 =	rddreg [dreg:$0x0];
	s2 =	stileid.u32  }
0x4a: {  	s1 =	rddreg [dreg:$0x1];
	p0 =	sne.s32 s2, $0x0  }
0x4b: {  	s3 =	rddreg [dreg:$0x2];
	[bflag:$0x3] =	sbarrier.arrive $0xFFFF;
	s2 =	simm.s32 @!p0 $0x1C02  }
0x4c: {  	[timem:s3], [sflag:s2] =	dma.local @!p0 [hbm:s0], s1  }
0x4d: {  	s0 =	simm.s32 @!p0 $0x2  }
0x4e: {  	_ =	swait.ge @!p0 [sflag:s0], s1  }
0x4f: {  	s1 =	ssub.s32 @!p0 $0x0, s1;
	[sflag:s0] =	ssyncset.done @!p0 $0x0  }
0x50: {  	[sflag:s0] =	ssyncadd.s32 @!p0 s1  }
0x51: {  	[bflag:$0x3] =	sbarrier.arrive $0xFFFF  }
0x52: {  	_ =	shalt  }

</sc_bundles>
